<compile_context>
chip_gen: v7x
topology: tpu7x:2x2x1
jax: 0.10.2.dev20260603
libtpu: 0.0.44.dev20260713+nightly
codegen_flags: <defaults>
</compile_context>

<pallas_src>
import functools
import math

import jax
import jax.numpy as jnp
from jax import lax
from jax.experimental import pallas as pl
from jax.experimental.pallas import tpu as pltpu
from jax.experimental.pallas import tpu_sc as plsc

D_MODEL = 64
SCALE = math.sqrt(D_MODEL)


@functools.partial(jax.jit, static_argnames=("N", "W", "D", "H"))
def _emb_lookup(idxT_flat, table3, *, N, W, D, H):
    info = plsc.get_sparse_core_info()
    NC, NS, L = info.num_cores, info.num_subcores, info.num_lanes
    NW = NC * NS
    B = N * W
    assert B % NW == 0
    b_per_w = B // NW
    NB = N // 128
    CB = 2
    C = CB * 128
    n_chunks = b_per_w // C
    assert D % L == 0

    mesh = plsc.VectorSubcoreMesh(core_axis_name="c", subcore_axis_name="s")

    @functools.partial(
        pl.kernel,
        mesh=mesh,
        compiler_params=pltpu.CompilerParams(needs_layout_passes=False),
        out_type=jax.ShapeDtypeStruct((W, D, N), jnp.float32),
        scratch_types=[
            pltpu.VMEM((b_per_w,), jnp.int32),
            pltpu.VMEM((C, D), jnp.float32),
            pltpu.VMEM((D, C), jnp.float32),
            pltpu.SemaphoreType.DMA,
        ],
    )
    def k(idx_hbm, tp_hbm, out_hbm, idx_v, rows_v, blkT_v, sem):
        wid = lax.axis_index("s") * NC + lax.axis_index("c")
        base = wid * b_per_w
        bid0 = wid * (b_per_w // 128)
        lanes = lax.iota(jnp.int32, L)
        pltpu.sync_copy(idx_hbm.at[pl.ds(base, b_per_w)], idx_v)

        def chunk(j, carry0):
            def issue(r, carry):
                vec = idx_v[pl.ds(j * C + r * L, L)]
                hi = jnp.where(vec >= H, jnp.int32(1), jnp.int32(0))
                lo = vec - hi * H
                for t in range(L):
                    pltpu.make_async_copy(
                        tp_hbm.at[hi[t], lo[t]], rows_v.at[r * L + t], sem
                    ).start()
                return carry

            lax.fori_loop(0, C // L, issue, 0)
            pltpu.make_async_copy(
                tp_hbm.at[0, pl.ds(0, C)], rows_v, sem
            ).wait()

            def tpose(n, carry):
                ncol = jnp.full((L,), n, jnp.int32)
                for g in range(D // L):
                    v = rows_v[n, pl.ds(g * L, L)] * SCALE
                    plsc.store_scatter(blkT_v, [lanes + g * L, ncol], v)
                return carry

            lax.fori_loop(0, C, tpose, 0)

            bid = bid0 + j * CB
            w = lax.shift_right_logical(bid, 5)
            nb = lax.bitwise_and(bid, jnp.int32(NB - 1))
            pltpu.sync_copy(
                blkT_v, out_hbm.at[w, :, pl.ds(nb * 128, C)]
            )
            return carry0

        lax.fori_loop(0, n_chunks, chunk, 0)

    return k(idxT_flat, table3)


def kernel(x, word_emb_weight):
    N, W = x.shape
    V, D = word_emb_weight.shape
    idxT_flat = x.T.reshape(N * W)
    table3 = word_emb_weight.reshape(2, V // 2, D)
    out = _emb_lookup(idxT_flat, table3, N=N, W=W, D=D, H=V // 2)
    return jnp.transpose(out, (2, 0, 1))

# --- scband reference (transcript-rebuilt; emitter-appended) ---
"""Pipeline reference for scband-word-embedding-31482110280421 (READ-ONLY COPY).

The authoritative reference and input builder live on the scoring server;
editing this copy changes nothing except your own understanding.
"""

import jax, jax.numpy as jnp
import numpy as np
import math

VOCAB = 1000000
D_MODEL = 64
PADDING_IDX = 0

def setup_inputs(seed: int = 0) -> dict:
    key = jax.random.key(seed)
    k1, k2 = jax.random.split(key)
    x = jax.random.randint(k1, (4096, 50), 0, VOCAB, dtype=jnp.int32)
    table = jax.random.normal(k2, (VOCAB, D_MODEL), dtype=jnp.float32)
    # nn.Embedding with padding_idx keeps that row at zero
    table = table.at[PADDING_IDX].set(0.0)
    return {"x": x, "word_emb_weight": table}

def reference(x, word_emb_weight):
    # embedding lookup (gather) then scale by sqrt(d_model); dropout is identity in eval
    emb = jnp.take(word_emb_weight, x, axis=0)
    return emb * math.sqrt(D_MODEL)

if __name__ == "__main__":
    import jax
    _d = setup_inputs()
    print(jax.jit(kernel)(*tuple(_d.values())))

</pallas_src>

<mosaic_0001>
#map = affine_map<(d0, d1) -> (0)>
#map1 = affine_map<(d0, d1) -> (0, 0, 0)>
module attributes {stable_mosaic.version = 14 : i64} {
  func.func @k(%arg0: i32, %arg1: i32, %arg2: memref<204800xi32, #tpu.memory_space<hbm>>, %arg3: memref<2x500000x64xf32, #tpu.memory_space<hbm>>, %arg4: memref<50x64x4096xf32, #tpu.memory_space<hbm>>, %arg5: memref<6400xi32, #tpu.memory_space<vmem>>, %arg6: memref<256x64xf32, #tpu.memory_space<vmem>>, %arg7: memref<64x256xf32, #tpu.memory_space<vmem>>, %arg8: memref<!tpu.dma_semaphore, #tpu.memory_space<semaphore_mem>>) attributes {dimension_semantics = [#tpu.dimension_semantics<core_parallel>, #tpu.dimension_semantics<subcore_parallel>], iteration_bounds = array<i64: 2, 16>, scalar_prefetch = 0 : i64, scratch_operands = 4 : i64, tpu.core_type = #tpu.core_type<sc_vector_subcore>, window_params = [{transform_indices = #map}, {transform_indices = #map1}, {transform_indices = #map1}]} {
    %mul3A = arith.constant 2 : i32
    %mul3A_0 = arith.muli %arg1, %mul3A : i32
    %add3A = arith.addi %mul3A_0, %arg0 : i32
    %mul3A_1 = arith.constant 6400 : i32
    %mul3A_2 = arith.muli %add3A, %mul3A_1 : i32
    %mul3A_3 = arith.constant 50 : i32
    %mul3A_4 = arith.muli %add3A, %mul3A_3 : i32
    %iota3A = tpu.iota {dimensions = array<i32: 0>} : vector<16xi32>
    "tpu.region"() ({
      %run_scoped3A = tpu.sem_alloc : memref<!tpu.dma_semaphore, #tpu.memory_space<semaphore_mem>>
      %dma_start3A = tpu.memref_slice %arg2[%mul3A_2] : memref<204800xi32, #tpu.memory_space<hbm>> -> memref<6400xi32, #tpu.memory_space<hbm>>
      %dma_start3A_10 = tpu.memref_slice %arg2[%mul3A_2] : memref<204800xi32, #tpu.memory_space<hbm>> -> memref<6400xi32, #tpu.memory_space<hbm>>
      tpu.enqueue_dma source(%dma_start3A_10 : memref<6400xi32, #tpu.memory_space<hbm>>) target(%arg5 : memref<6400xi32, #tpu.memory_space<vmem>>) target_semaphore(%run_scoped3A : memref<!tpu.dma_semaphore, #tpu.memory_space<semaphore_mem>>)
      %dma_wait3A = tpu.memref_slice %arg2[%mul3A_2] : memref<204800xi32, #tpu.memory_space<hbm>> -> memref<6400xi32, #tpu.memory_space<hbm>>
      %dma_wait3A_11 = tpu.memref_slice %arg2[%mul3A_2] : memref<204800xi32, #tpu.memory_space<hbm>> -> memref<6400xi32, #tpu.memory_space<hbm>>
      tpu.wait_dma2 semaphore(%run_scoped3A : memref<!tpu.dma_semaphore, #tpu.memory_space<semaphore_mem>>) src(%dma_wait3A_11 : memref<6400xi32, #tpu.memory_space<hbm>>) dst(%arg5 : memref<6400xi32, #tpu.memory_space<vmem>>)
      tpu.yield
    }) : () -> ()
    %scan3A = arith.constant 0 : i32
    %scan3A_5 = arith.constant 0 : i32
    %scan3A_6 = arith.constant 25 : i32
    %scan3A_7 = arith.addi %scan3A_5, %scan3A_6 : i32
    %scan3A_8 = arith.constant 1 : i32
    scf.for %scan3A_10 = %scan3A_5 to %scan3A_7 step %scan3A_8  : i32 {
      %scan3A_11 = arith.constant 0 : i32
      %scan3A_12 = arith.constant 0 : i32
      %scan3A_13 = arith.constant 16 : i32
      %scan3A_14 = arith.addi %scan3A_12, %scan3A_13 : i32
      %scan3A_15 = arith.constant 1 : i32
      scf.for %scan3A_38 = %scan3A_12 to %scan3A_14 step %scan3A_15  : i32 {
        %mul3A_39 = arith.constant 256 : i32
        %mul3A_40 = arith.muli %scan3A_10, %mul3A_39 : i32
        %mul3A_41 = arith.constant 16 : i32
        %mul3A_42 = arith.muli %scan3A_38, %mul3A_41 : i32
        %add3A_43 = arith.addi %mul3A_40, %mul3A_42 : i32
        %get3A = arith.index_cast %add3A_43 : i32 to index
        %get3A_44 = tpu.vector_load %arg5[%get3A] {strides = array<i32>} : memref<6400xi32, #tpu.memory_space<vmem>>, vector<16xi32>,
        %ge3A = arith.constant 500000 : i32
        %ge3A_45 = vector.broadcast %ge3A : i32 to vector<16xi32>
        %ge3A_46 = arith.cmpi sge, %get3A_44, %ge3A_45 : vector<16xi32>
        %jit3A = arith.constant 1 : i32
        %jit3A_47 = arith.constant 0 : i32
        %broadcast_in_dim3A = vector.broadcast %jit3A : i32 to vector<16xi32>
        %broadcast_in_dim3A_48 = vector.broadcast %jit3A_47 : i32 to vector<16xi32>
        %select_n3A = arith.select %ge3A_46, %broadcast_in_dim3A, %broadcast_in_dim3A_48 : vector<16xi1>, vector<16xi32>
        %mul3A_49 = arith.constant 500000 : i32
        %mul3A_50 = vector.broadcast %mul3A_49 : i32 to vector<16xi32>
        %mul3A_51 = arith.muli %select_n3A, %mul3A_50 : vector<16xi32>
        %sub3A = arith.subi %get3A_44, %mul3A_51 : vector<16xi32>
        %slice3A = vector.extract_strided_slice %select_n3A {offsets = [0], sizes = [1], strides = [1]} : vector<16xi32> to vector<1xi32>
        %squeeze3A = vector.extract %slice3A[0] : i32 from vector<1xi32>
        %slice3A_52 = vector.extract_strided_slice %sub3A {offsets = [0], sizes = [1], strides = [1]} : vector<16xi32> to vector<1xi32>
        %squeeze3A_53 = vector.extract %slice3A_52[0] : i32 from vector<1xi32>
        %mul3A_54 = arith.constant 16 : i32
        %mul3A_55 = arith.muli %scan3A_38, %mul3A_54 : i32
        %add3A_56 = arith.constant 0 : i32
        %add3A_57 = arith.addi %mul3A_55, %add3A_56 : i32
        %dma_start3A = arith.constant 0 : i32
        %dma_start3A_58 = tpu.memref_slice %arg6[%add3A_57, %dma_start3A] : memref<256x64xf32, #tpu.memory_space<vmem>> -> memref<1x64xf32, #tpu.memory_space<vmem>>
        %dma_start3A_59 = tpu.memref_squeeze %dma_start3A_58 : memref<1x64xf32, #tpu.memory_space<vmem>> -> memref<64xf32, #tpu.memory_space<vmem>>
        %dma_start3A_60 = arith.constant 0 : i32
        %dma_start3A_61 = tpu.memref_slice %arg3[%squeeze3A, %squeeze3A_53, %dma_start3A_60] : memref<2x500000x64xf32, #tpu.memory_space<hbm>> -> memref<1x1x64xf32, #tpu.memory_space<hbm>>
        %dma_start3A_62 = tpu.memref_squeeze %dma_start3A_61 : memref<1x1x64xf32, #tpu.memory_space<hbm>> -> memref<64xf32, #tpu.memory_space<hbm>>
        %dma_start3A_63 = arith.constant 0 : i32
        %dma_start3A_64 = tpu.memref_slice %arg6[%add3A_57, %dma_start3A_63] : memref<256x64xf32, #tpu.memory_space<vmem>> -> memref<1x64xf32, #tpu.memory_space<vmem>>
        %dma_start3A_65 = tpu.memref_squeeze %dma_start3A_64 : memref<1x64xf32, #tpu.memory_space<vmem>> -> memref<64xf32, #tpu.memory_space<vmem>>
        %dma_start3A_66 = arith.constant 0 : i32
        %dma_start3A_67 = tpu.memref_slice %arg3[%squeeze3A, %squeeze3A_53, %dma_start3A_66] : memref<2x500000x64xf32, #tpu.memory_space<hbm>> -> memref<1x1x64xf32, #tpu.memory_space<hbm>>
        %dma_start3A_68 = tpu.memref_squeeze %dma_start3A_67 : memref<1x1x64xf32, #tpu.memory_space<hbm>> -> memref<64xf32, #tpu.memory_space<hbm>>
        tpu.enqueue_dma source(%dma_start3A_68 : memref<64xf32, #tpu.memory_space<hbm>>) target(%dma_start3A_65 : memref<64xf32, #tpu.memory_space<vmem>>) target_semaphore(%arg8 : memref<!tpu.dma_semaphore, #tpu.memory_space<semaphore_mem>>)
        %slice3A_69 = vector.extract_strided_slice %select_n3A {offsets = [1], sizes = [1], strides = [1]} : vector<16xi32> to vector<1xi32>
        %squeeze3A_70 = vector.extract %slice3A_69[0] : i32 from vector<1xi32>
        %slice3A_71 = vector.extract_strided_slice %sub3A {offsets = [1], sizes = [1], strides = [1]} : vector<16xi32> to vector<1xi32>
        %squeeze3A_72 = vector.extract %slice3A_71[0] : i32 from vector<1xi32>
        %mul3A_73 = arith.constant 16 : i32
        %mul3A_74 = arith.muli %scan3A_38, %mul3A_73 : i32
        %add3A_75 = arith.constant 1 : i32
        %add3A_76 = arith.addi %mul3A_74, %add3A_75 : i32
        %dma_start3A_77 = arith.constant 0 : i32
        %dma_start3A_78 = tpu.memref_slice %arg6[%add3A_76, %dma_start3A_77] : memref<256x64xf32, #tpu.memory_space<vmem>> -> memref<1x64xf32, #tpu.memory_space<vmem>>
        %dma_start3A_79 = tpu.memref_squeeze %dma_start3A_78 : memref<1x64xf32, #tpu.memory_space<vmem>> -> memref<64xf32, #tpu.memory_space<vmem>>
        %dma_start3A_80 = arith.constant 0 : i32
        %dma_start3A_81 = tpu.memref_slice %arg3[%squeeze3A_70, %squeeze3A_72, %dma_start3A_80] : memref<2x500000x64xf32, #tpu.memory_space<hbm>> -> memref<1x1x64xf32, #tpu.memory_space<hbm>>
        %dma_start3A_82 = tpu.memref_squeeze %dma_start3A_81 : memref<1x1x64xf32, #tpu.memory_space<hbm>> -> memref<64xf32, #tpu.memory_space<hbm>>
        %dma_start3A_83 = arith.constant 0 : i32
        %dma_start3A_84 = tpu.memref_slice %arg6[%add3A_76, %dma_start3A_83] : memref<256x64xf32, #tpu.memory_space<vmem>> -> memref<1x64xf32, #tpu.memory_space<vmem>>
        %dma_start3A_85 = tpu.memref_squeeze %dma_start3A_84 : memref<1x64xf32, #tpu.memory_space<vmem>> -> memref<64xf32, #tpu.memory_space<vmem>>
        %dma_start3A_86 = arith.constant 0 : i32
        %dma_start3A_87 = tpu.memref_slice %arg3[%squeeze3A_70, %squeeze3A_72, %dma_start3A_86] : memref<2x500000x64xf32, #tpu.memory_space<hbm>> -> memref<1x1x64xf32, #tpu.memory_space<hbm>>
        %dma_start3A_88 = tpu.memref_squeeze %dma_start3A_87 : memref<1x1x64xf32, #tpu.memory_space<hbm>> -> memref<64xf32, #tpu.memory_space<hbm>>
        tpu.enqueue_dma source(%dma_start3A_88 : memref<64xf32, #tpu.memory_space<hbm>>) target(%dma_start3A_85 : memref<64xf32, #tpu.memory_space<vmem>>) target_semaphore(%arg8 : memref<!tpu.dma_semaphore, #tpu.memory_space<semaphore_mem>>)
        %slice3A_89 = vector.extract_strided_slice %select_n3A {offsets = [2], sizes = [1], strides = [1]} : vector<16xi32> to vector<1xi32>
        %squeeze3A_90 = vector.extract %slice3A_89[0] : i32 from vector<1xi32>
        %slice3A_91 = vector.extract_strided_slice %sub3A {offsets = [2], sizes = [1], strides = [1]} : vector<16xi32> to vector<1xi32>
        %squeeze3A_92 = vector.extract %slice3A_91[0] : i32 from vector<1xi32>
        %mul3A_93 = arith.constant 16 : i32
        %mul3A_94 = arith.muli %scan3A_38, %mul3A_93 : i32
        %add3A_95 = arith.constant 2 : i32
        %add3A_96 = arith.addi %mul3A_94, %add3A_95 : i32
        %dma_start3A_97 = arith.constant 0 : i32
        %dma_start3A_98 = tpu.memref_slice %arg6[%add3A_96, %dma_start3A_97] : memref<256x64xf32, #tpu.memory_space<vmem>> -> memref<1x64xf32, #tpu.memory_space<vmem>>
        %dma_start3A_99 = tpu.memref_squeeze %dma_start3A_98 : memref<1x64xf32, #tpu.memory_space<vmem>> -> memref<64xf32, #tpu.memory_space<vmem>>
        %dma_start3A_100 = arith.constant 0 : i32
        %dma_start3A_101 = tpu.memref_slice %arg3[%squeeze3A_90, %squeeze3A_92, %dma_start3A_100] : memref<2x500000x64xf32, #tpu.memory_space<hbm>> -> memref<1x1x64xf32, #tpu.memory_space<hbm>>
        %dma_start3A_102 = tpu.memref_squeeze %dma_start3A_101 : memref<1x1x64xf32, #tpu.memory_space<hbm>> -> memref<64xf32, #tpu.memory_space<hbm>>
        %dma_start3A_103 = arith.constant 0 : i32
        %dma_start3A_104 = tpu.memref_slice %arg6[%add3A_96, %dma_start3A_103] : memref<256x64xf32, #tpu.memory_space<vmem>> -> memref<1x64xf32, #tpu.memory_space<vmem>>
        %dma_start3A_105 = tpu.memref_squeeze %dma_start3A_104 : memref<1x64xf32, #tpu.memory_space<vmem>> -> memref<64xf32, #tpu.memory_space<vmem>>
        %dma_start3A_106 = arith.constant 0 : i32
        %dma_start3A_107 = tpu.memref_slice %arg3[%squeeze3A_90, %squeeze3A_92, %dma_start3A_106] : memref<2x500000x64xf32, #tpu.memory_space<hbm>> -> memref<1x1x64xf32, #tpu.memory_space<hbm>>
        %dma_start3A_108 = tpu.memref_squeeze %dma_start3A_107 : memref<1x1x64xf32, #tpu.memory_space<hbm>> -> memref<64xf32, #tpu.memory_space<hbm>>
        tpu.enqueue_dma source(%dma_start3A_108 : memref<64xf32, #tpu.memory_space<hbm>>) target(%dma_start3A_105 : memref<64xf32, #tpu.memory_space<vmem>>) target_semaphore(%arg8 : memref<!tpu.dma_semaphore, #tpu.memory_space<semaphore_mem>>)
        %slice3A_109 = vector.extract_strided_slice %select_n3A {offsets = [3], sizes = [1], strides = [1]} : vector<16xi32> to vector<1xi32>
        %squeeze3A_110 = vector.extract %slice3A_109[0] : i32 from vector<1xi32>
        %slice3A_111 = vector.extract_strided_slice %sub3A {offsets = [3], sizes = [1], strides = [1]} : vector<16xi32> to vector<1xi32>
        %squeeze3A_112 = vector.extract %slice3A_111[0] : i32 from vector<1xi32>
        %mul3A_113 = arith.constant 16 : i32
        %mul3A_114 = arith.muli %scan3A_38, %mul3A_113 : i32
        %add3A_115 = arith.constant 3 : i32
        %add3A_116 = arith.addi %mul3A_114, %add3A_115 : i32
        %dma_start3A_117 = arith.constant 0 : i32
        %dma_start3A_118 = tpu.memref_slice %arg6[%add3A_116, %dma_start3A_117] : memref<256x64xf32, #tpu.memory_space<vmem>> -> memref<1x64xf32, #tpu.memory_space<vmem>>
        %dma_start3A_119 = tpu.memref_squeeze %dma_start3A_118 : memref<1x64xf32, #tpu.memory_space<vmem>> -> memref<64xf32, #tpu.memory_space<vmem>>
        %dma_start3A_120 = arith.constant 0 : i32
        %dma_start3A_121 = tpu.memref_slice %arg3[%squeeze3A_110, %squeeze3A_112, %dma_start3A_120] : memref<2x500000x64xf32, #tpu.memory_space<hbm>> -> memref<1x1x64xf32, #tpu.memory_space<hbm>>
        %dma_start3A_122 = tpu.memref_squeeze %dma_start3A_121 : memref<1x1x64xf32, #tpu.memory_space<hbm>> -> memref<64xf32, #tpu.memory_space<hbm>>
        %dma_start3A_123 = arith.constant 0 : i32
        %dma_start3A_124 = tpu.memref_slice %arg6[%add3A_116, %dma_start3A_123] : memref<256x64xf32, #tpu.memory_space<vmem>> -> memref<1x64xf32, #tpu.memory_space<vmem>>
        %dma_start3A_125 = tpu.memref_squeeze %dma_start3A_124 : memref<1x64xf32, #tpu.memory_space<vmem>> -> memref<64xf32, #tpu.memory_space<vmem>>
        %dma_start3A_126 = arith.constant 0 : i32
        %dma_start3A_127 = tpu.memref_slice %arg3[%squeeze3A_110, %squeeze3A_112, %dma_start3A_126] : memref<2x500000x64xf32, #tpu.memory_space<hbm>> -> memref<1x1x64xf32, #tpu.memory_space<hbm>>
        %dma_start3A_128 = tpu.memref_squeeze %dma_start3A_127 : memref<1x1x64xf32, #tpu.memory_space<hbm>> -> memref<64xf32, #tpu.memory_space<hbm>>
        tpu.enqueue_dma source(%dma_start3A_128 : memref<64xf32, #tpu.memory_space<hbm>>) target(%dma_start3A_125 : memref<64xf32, #tpu.memory_space<vmem>>) target_semaphore(%arg8 : memref<!tpu.dma_semaphore, #tpu.memory_space<semaphore_mem>>)
        %slice3A_129 = vector.extract_strided_slice %select_n3A {offsets = [4], sizes = [1], strides = [1]} : vector<16xi32> to vector<1xi32>
        %squeeze3A_130 = vector.extract %slice3A_129[0] : i32 from vector<1xi32>
        %slice3A_131 = vector.extract_strided_slice %sub3A {offsets = [4], sizes = [1], strides = [1]} : vector<16xi32> to vector<1xi32>
        %squeeze3A_132 = vector.extract %slice3A_131[0] : i32 from vector<1xi32>
        %mul3A_133 = arith.constant 16 : i32
        %mul3A_134 = arith.muli %scan3A_38, %mul3A_133 : i32
        %add3A_135 = arith.constant 4 : i32
        %add3A_136 = arith.addi %mul3A_134, %add3A_135 : i32
        %dma_start3A_137 = arith.constant 0 : i32
        %dma_start3A_138 = tpu.memref_slice %arg6[%add3A_136, %dma_start3A_137] : memref<256x64xf32, #tpu.memory_space<vmem>> -> memref<1x64xf32, #tpu.memory_space<vmem>>
        %dma_start3A_139 = tpu.memref_squeeze %dma_start3A_138 : memref<1x64xf32, #tpu.memory_space<vmem>> -> memref<64xf32, #tpu.memory_space<vmem>>
        %dma_start3A_140 = arith.constant 0 : i32
        %dma_start3A_141 = tpu.memref_slice %arg3[%squeeze3A_130, %squeeze3A_132, %dma_start3A_140] : memref<2x500000x64xf32, #tpu.memory_space<hbm>> -> memref<1x1x64xf32, #tpu.memory_space<hbm>>
        %dma_start3A_142 = tpu.memref_squeeze %dma_start3A_141 : memref<1x1x64xf32, #tpu.memory_space<hbm>> -> memref<64xf32, #tpu.memory_space<hbm>>
        %dma_start3A_143 = arith.constant 0 : i32
        %dma_start3A_144 = tpu.memref_slice %arg6[%add3A_136, %dma_start3A_143] : memref<256x64xf32, #tpu.memory_space<vmem>> -> memref<1x64xf32, #tpu.memory_space<vmem>>
        %dma_start3A_145 = tpu.memref_squeeze %dma_start3A_144 : memref<1x64xf32, #tpu.memory_space<vmem>> -> memref<64xf32, #tpu.memory_space<vmem>>
        %dma_start3A_146 = arith.constant 0 : i32
        %dma_start3A_147 = tpu.memref_slice %arg3[%squeeze3A_130, %squeeze3A_132, %dma_start3A_146] : memref<2x500000x64xf32, #tpu.memory_space<hbm>> -> memref<1x1x64xf32, #tpu.memory_space<hbm>>
        %dma_start3A_148 = tpu.memref_squeeze %dma_start3A_147 : memref<1x1x64xf32, #tpu.memory_space<hbm>> -> memref<64xf32, #tpu.memory_space<hbm>>
        tpu.enqueue_dma source(%dma_start3A_148 : memref<64xf32, #tpu.memory_space<hbm>>) target(%dma_start3A_145 : memref<64xf32, #tpu.memory_space<vmem>>) target_semaphore(%arg8 : memref<!tpu.dma_semaphore, #tpu.memory_space<semaphore_mem>>)
        %slice3A_149 = vector.extract_strided_slice %select_n3A {offsets = [5], sizes = [1], strides = [1]} : vector<16xi32> to vector<1xi32>
        %squeeze3A_150 = vector.extract %slice3A_149[0] : i32 from vector<1xi32>
        %slice3A_151 = vector.extract_strided_slice %sub3A {offsets = [5], sizes = [1], strides = [1]} : vector<16xi32> to vector<1xi32>
        %squeeze3A_152 = vector.extract %slice3A_151[0] : i32 from vector<1xi32>
        %mul3A_153 = arith.constant 16 : i32
        %mul3A_154 = arith.muli %scan3A_38, %mul3A_153 : i32
        %add3A_155 = arith.constant 5 : i32
        %add3A_156 = arith.addi %mul3A_154, %add3A_155 : i32
        %dma_start3A_157 = arith.constant 0 : i32
        %dma_start3A_158 = tpu.memref_slice %arg6[%add3A_156, %dma_start3A_157] : memref<256x64xf32, #tpu.memory_space<vmem>> -> memref<1x64xf32, #tpu.memory_space<vmem>>
        %dma_start3A_159 = tpu.memref_squeeze %dma_start3A_158 : memref<1x64xf32, #tpu.memory_space<vmem>> -> memref<64xf32, #tpu.memory_space<vmem>>
        %dma_start3A_160 = arith.constant 0 : i32
        %dma_start3A_161 = tpu.memref_slice %arg3[%squeeze3A_150, %squeeze3A_152, %dma_start3A_160] : memref<2x500000x64xf32, #tpu.memory_space<hbm>> -> memref<1x1x64xf32, #tpu.memory_space<hbm>>
        %dma_start3A_162 = tpu.memref_squeeze %dma_start3A_161 : memref<1x1x64xf32, #tpu.memory_space<hbm>> -> memref<64xf32, #tpu.memory_space<hbm>>
        %dma_start3A_163 = arith.constant 0 : i32
        %dma_start3A_164 = tpu.memref_slice %arg6[%add3A_156, %dma_start3A_163] : memref<256x64xf32, #tpu.memory_space<vmem>> -> memref<1x64xf32, #tpu.memory_space<vmem>>
        %dma_start3A_165 = tpu.memref_squeeze %dma_start3A_164 : memref<1x64xf32, #tpu.memory_space<vmem>> -> memref<64xf32, #tpu.memory_space<vmem>>
        %dma_start3A_166 = arith.constant 0 : i32
        %dma_start3A_167 = tpu.memref_slice %arg3[%squeeze3A_150, %squeeze3A_152, %dma_start3A_166] : memref<2x500000x64xf32, #tpu.memory_space<hbm>> -> memref<1x1x64xf32, #tpu.memory_space<hbm>>
        %dma_start3A_168 = tpu.memref_squeeze %dma_start3A_167 : memref<1x1x64xf32, #tpu.memory_space<hbm>> -> memref<64xf32, #tpu.memory_space<hbm>>
        tpu.enqueue_dma source(%dma_start3A_168 : memref<64xf32, #tpu.memory_space<hbm>>) target(%dma_start3A_165 : memref<64xf32, #tpu.memory_space<vmem>>) target_semaphore(%arg8 : memref<!tpu.dma_semaphore, #tpu.memory_space<semaphore_mem>>)
        %slice3A_169 = vector.extract_strided_slice %select_n3A {offsets = [6], sizes = [1], strides = [1]} : vector<16xi32> to vector<1xi32>
        %squeeze3A_170 = vector.extract %slice3A_169[0] : i32 from vector<1xi32>
        %slice3A_171 = vector.extract_strided_slice %sub3A {offsets = [6], sizes = [1], strides = [1]} : vector<16xi32> to vector<1xi32>
        %squeeze3A_172 = vector.extract %slice3A_171[0] : i32 from vector<1xi32>
        %mul3A_173 = arith.constant 16 : i32
        %mul3A_174 = arith.muli %scan3A_38, %mul3A_173 : i32
        %add3A_175 = arith.constant 6 : i32
        %add3A_176 = arith.addi %mul3A_174, %add3A_175 : i32
        %dma_start3A_177 = arith.constant 0 : i32
        %dma_start3A_178 = tpu.memref_slice %arg6[%add3A_176, %dma_start3A_177] : memref<256x64xf32, #tpu.memory_space<vmem>> -> memref<1x64xf32, #tpu.memory_space<vmem>>
        %dma_start3A_179 = tpu.memref_squeeze %dma_start3A_178 : memref<1x64xf32, #tpu.memory_space<vmem>> -> memref<64xf32, #tpu.memory_space<vmem>>
        %dma_start3A_180 = arith.constant 0 : i32
        %dma_start3A_181 = tpu.memref_slice %arg3[%squeeze3A_170, %squeeze3A_172, %dma_start3A_180] : memref<2x500000x64xf32, #tpu.memory_space<hbm>> -> memref<1x1x64xf32, #tpu.memory_space<hbm>>
        %dma_start3A_182 = tpu.memref_squeeze %dma_start3A_181 : memref<1x1x64xf32, #tpu.memory_space<hbm>> -> memref<64xf32, #tpu.memory_space<hbm>>
        %dma_start3A_183 = arith.constant 0 : i32
        %dma_start3A_184 = tpu.memref_slice %arg6[%add3A_176, %dma_start3A_183] : memref<256x64xf32, #tpu.memory_space<vmem>> -> memref<1x64xf32, #tpu.memory_space<vmem>>
        %dma_start3A_185 = tpu.memref_squeeze %dma_start3A_184 : memref<1x64xf32, #tpu.memory_space<vmem>> -> memref<64xf32, #tpu.memory_space<vmem>>
        %dma_start3A_186 = arith.constant 0 : i32
        %dma_start3A_187 = tpu.memref_slice %arg3[%squeeze3A_170, %squeeze3A_172, %dma_start3A_186] : memref<2x500000x64xf32, #tpu.memory_space<hbm>> -> memref<1x1x64xf32, #tpu.memory_space<hbm>>
        %dma_start3A_188 = tpu.memref_squeeze %dma_start3A_187 : memref<1x1x64xf32, #tpu.memory_space<hbm>> -> memref<64xf32, #tpu.memory_space<hbm>>
        tpu.enqueue_dma source(%dma_start3A_188 : memref<64xf32, #tpu.memory_space<hbm>>) target(%dma_start3A_185 : memref<64xf32, #tpu.memory_space<vmem>>) target_semaphore(%arg8 : memref<!tpu.dma_semaphore, #tpu.memory_space<semaphore_mem>>)
        %slice3A_189 = vector.extract_strided_slice %select_n3A {offsets = [7], sizes = [1], strides = [1]} : vector<16xi32> to vector<1xi32>
        %squeeze3A_190 = vector.extract %slice3A_189[0] : i32 from vector<1xi32>
        %slice3A_191 = vector.extract_strided_slice %sub3A {offsets = [7], sizes = [1], strides = [1]} : vector<16xi32> to vector<1xi32>
        %squeeze3A_192 = vector.extract %slice3A_191[0] : i32 from vector<1xi32>
        %mul3A_193 = arith.constant 16 : i32
        %mul3A_194 = arith.muli %scan3A_38, %mul3A_193 : i32
        %add3A_195 = arith.constant 7 : i32
        %add3A_196 = arith.addi %mul3A_194, %add3A_195 : i32
        %dma_start3A_197 = arith.constant 0 : i32
        %dma_start3A_198 = tpu.memref_slice %arg6[%add3A_196, %dma_start3A_197] : memref<256x64xf32, #tpu.memory_space<vmem>> -> memref<1x64xf32, #tpu.memory_space<vmem>>
        %dma_start3A_199 = tpu.memref_squeeze %dma_start3A_198 : memref<1x64xf32, #tpu.memory_space<vmem>> -> memref<64xf32, #tpu.memory_space<vmem>>
        %dma_start3A_200 = arith.constant 0 : i32
        %dma_start3A_201 = tpu.memref_slice %arg3[%squeeze3A_190, %squeeze3A_192, %dma_start3A_200] : memref<2x500000x64xf32, #tpu.memory_space<hbm>> -> memref<1x1x64xf32, #tpu.memory_space<hbm>>
        %dma_start3A_202 = tpu.memref_squeeze %dma_start3A_201 : memref<1x1x64xf32, #tpu.memory_space<hbm>> -> memref<64xf32, #tpu.memory_space<hbm>>
        %dma_start3A_203 = arith.constant 0 : i32
        %dma_start3A_204 = tpu.memref_slice %arg6[%add3A_196, %dma_start3A_203] : memref<256x64xf32, #tpu.memory_space<vmem>> -> memref<1x64xf32, #tpu.memory_space<vmem>>
        %dma_start3A_205 = tpu.memref_squeeze %dma_start3A_204 : memref<1x64xf32, #tpu.memory_space<vmem>> -> memref<64xf32, #tpu.memory_space<vmem>>
        %dma_start3A_206 = arith.constant 0 : i32
        %dma_start3A_207 = tpu.memref_slice %arg3[%squeeze3A_190, %squeeze3A_192, %dma_start3A_206] : memref<2x500000x64xf32, #tpu.memory_space<hbm>> -> memref<1x1x64xf32, #tpu.memory_space<hbm>>
        %dma_start3A_208 = tpu.memref_squeeze %dma_start3A_207 : memref<1x1x64xf32, #tpu.memory_space<hbm>> -> memref<64xf32, #tpu.memory_space<hbm>>
        tpu.enqueue_dma source(%dma_start3A_208 : memref<64xf32, #tpu.memory_space<hbm>>) target(%dma_start3A_205 : memref<64xf32, #tpu.memory_space<vmem>>) target_semaphore(%arg8 : memref<!tpu.dma_semaphore, #tpu.memory_space<semaphore_mem>>)
        %slice3A_209 = vector.extract_strided_slice %select_n3A {offsets = [8], sizes = [1], strides = [1]} : vector<16xi32> to vector<1xi32>
        %squeeze3A_210 = vector.extract %slice3A_209[0] : i32 from vector<1xi32>
        %slice3A_211 = vector.extract_strided_slice %sub3A {offsets = [8], sizes = [1], strides = [1]} : vector<16xi32> to vector<1xi32>
        %squeeze3A_212 = vector.extract %slice3A_211[0] : i32 from vector<1xi32>
        %mul3A_213 = arith.constant 16 : i32
        %mul3A_214 = arith.muli %scan3A_38, %mul3A_213 : i32
        %add3A_215 = arith.constant 8 : i32
        %add3A_216 = arith.addi %mul3A_214, %add3A_215 : i32
        %dma_start3A_217 = arith.constant 0 : i32
        %dma_start3A_218 = tpu.memref_slice %arg6[%add3A_216, %dma_start3A_217] : memref<256x64xf32, #tpu.memory_space<vmem>> -> memref<1x64xf32, #tpu.memory_space<vmem>>
        %dma_start3A_219 = tpu.memref_squeeze %dma_start3A_218 : memref<1x64xf32, #tpu.memory_space<vmem>> -> memref<64xf32, #tpu.memory_space<vmem>>
        %dma_start3A_220 = arith.constant 0 : i32
        %dma_start3A_221 = tpu.memref_slice %arg3[%squeeze3A_210, %squeeze3A_212, %dma_start3A_220] : memref<2x500000x64xf32, #tpu.memory_space<hbm>> -> memref<1x1x64xf32, #tpu.memory_space<hbm>>
        %dma_start3A_222 = tpu.memref_squeeze %dma_start3A_221 : memref<1x1x64xf32, #tpu.memory_space<hbm>> -> memref<64xf32, #tpu.memory_space<hbm>>
        %dma_start3A_223 = arith.constant 0 : i32
        %dma_start3A_224 = tpu.memref_slice %arg6[%add3A_216, %dma_start3A_223] : memref<256x64xf32, #tpu.memory_space<vmem>> -> memref<1x64xf32, #tpu.memory_space<vmem>>
        %dma_start3A_225 = tpu.memref_squeeze %dma_start3A_224 : memref<1x64xf32, #tpu.memory_space<vmem>> -> memref<64xf32, #tpu.memory_space<vmem>>
        %dma_start3A_226 = arith.constant 0 : i32
        %dma_start3A_227 = tpu.memref_slice %arg3[%squeeze3A_210, %squeeze3A_212, %dma_start3A_226] : memref<2x500000x64xf32, #tpu.memory_space<hbm>> -> memref<1x1x64xf32, #tpu.memory_space<hbm>>
        %dma_start3A_228 = tpu.memref_squeeze %dma_start3A_227 : memref<1x1x64xf32, #tpu.memory_space<hbm>> -> memref<64xf32, #tpu.memory_space<hbm>>
        tpu.enqueue_dma source(%dma_start3A_228 : memref<64xf32, #tpu.memory_space<hbm>>) target(%dma_start3A_225 : memref<64xf32, #tpu.memory_space<vmem>>) target_semaphore(%arg8 : memref<!tpu.dma_semaphore, #tpu.memory_space<semaphore_mem>>)
        %slice3A_229 = vector.extract_strided_slice %select_n3A {offsets = [9], sizes = [1], strides = [1]} : vector<16xi32> to vector<1xi32>
        %squeeze3A_230 = vector.extract %slice3A_229[0] : i32 from vector<1xi32>
        %slice3A_231 = vector.extract_strided_slice %sub3A {offsets = [9], sizes = [1], strides = [1]} : vector<16xi32> to vector<1xi32>
        %squeeze3A_232 = vector.extract %slice3A_231[0] : i32 from vector<1xi32>
        %mul3A_233 = arith.constant 16 : i32
        %mul3A_234 = arith.muli %scan3A_38, %mul3A_233 : i32
        %add3A_235 = arith.constant 9 : i32
        %add3A_236 = arith.addi %mul3A_234, %add3A_235 : i32
        %dma_start3A_237 = arith.constant 0 : i32
        %dma_start3A_238 = tpu.memref_slice %arg6[%add3A_236, %dma_start3A_237] : memref<256x64xf32, #tpu.memory_space<vmem>> -> memref<1x64xf32, #tpu.memory_space<vmem>>
        %dma_start3A_239 = tpu.memref_squeeze %dma_start3A_238 : memref<1x64xf32, #tpu.memory_space<vmem>> -> memref<64xf32, #tpu.memory_space<vmem>>
        %dma_start3A_240 = arith.constant 0 : i32
        %dma_start3A_241 = tpu.memref_slice %arg3[%squeeze3A_230, %squeeze3A_232, %dma_start3A_240] : memref<2x500000x64xf32, #tpu.memory_space<hbm>> -> memref<1x1x64xf32, #tpu.memory_space<hbm>>
        %dma_start3A_242 = tpu.memref_squeeze %dma_start3A_241 : memref<1x1x64xf32, #tpu.memory_space<hbm>> -> memref<64xf32, #tpu.memory_space<hbm>>
        %dma_start3A_243 = arith.constant 0 : i32
        %dma_start3A_244 = tpu.memref_slice %arg6[%add3A_236, %dma_start3A_243] : memref<256x64xf32, #tpu.memory_space<vmem>> -> memref<1x64xf32, #tpu.memory_space<vmem>>
        %dma_start3A_245 = tpu.memref_squeeze %dma_start3A_244 : memref<1x64xf32, #tpu.memory_space<vmem>> -> memref<64xf32, #tpu.memory_space<vmem>>
        %dma_start3A_246 = arith.constant 0 : i32
        %dma_start3A_247 = tpu.memref_slice %arg3[%squeeze3A_230, %squeeze3A_232, %dma_start3A_246] : memref<2x500000x64xf32, #tpu.memory_space<hbm>> -> memref<1x1x64xf32, #tpu.memory_space<hbm>>
        %dma_start3A_248 = tpu.memref_squeeze %dma_start3A_247 : memref<1x1x64xf32, #tpu.memory_space<hbm>> -> memref<64xf32, #tpu.memory_space<hbm>>
        tpu.enqueue_dma source(%dma_start3A_248 : memref<64xf32, #tpu.memory_space<hbm>>) target(%dma_start3A_245 : memref<64xf32, #tpu.memory_space<vmem>>) target_semaphore(%arg8 : memref<!tpu.dma_semaphore, #tpu.memory_space<semaphore_mem>>)
        %slice3A_249 = vector.extract_strided_slice %select_n3A {offsets = [10], sizes = [1], strides = [1]} : vector<16xi32> to vector<1xi32>
        %squeeze3A_250 = vector.extract %slice3A_249[0] : i32 from vector<1xi32>
        %slice3A_251 = vector.extract_strided_slice %sub3A {offsets = [10], sizes = [1], strides = [1]} : vector<16xi32> to vector<1xi32>
        %squeeze3A_252 = vector.extract %slice3A_251[0] : i32 from vector<1xi32>
        %mul3A_253 = arith.constant 16 : i32
        %mul3A_254 = arith.muli %scan3A_38, %mul3A_253 : i32
        %add3A_255 = arith.constant 10 : i32
        %add3A_256 = arith.addi %mul3A_254, %add3A_255 : i32
        %dma_start3A_257 = arith.constant 0 : i32
        %dma_start3A_258 = tpu.memref_slice %arg6[%add3A_256, %dma_start3A_257] : memref<256x64xf32, #tpu.memory_space<vmem>> -> memref<1x64xf32, #tpu.memory_space<vmem>>
        %dma_start3A_259 = tpu.memref_squeeze %dma_start3A_258 : memref<1x64xf32, #tpu.memory_space<vmem>> -> memref<64xf32, #tpu.memory_space<vmem>>
        %dma_start3A_260 = arith.constant 0 : i32
        %dma_start3A_261 = tpu.memref_slice %arg3[%squeeze3A_250, %squeeze3A_252, %dma_start3A_260] : memref<2x500000x64xf32, #tpu.memory_space<hbm>> -> memref<1x1x64xf32, #tpu.memory_space<hbm>>
        %dma_start3A_262 = tpu.memref_squeeze %dma_start3A_261 : memref<1x1x64xf32, #tpu.memory_space<hbm>> -> memref<64xf32, #tpu.memory_space<hbm>>
        %dma_start3A_263 = arith.constant 0 : i32
        %dma_start3A_264 = tpu.memref_slice %arg6[%add3A_256, %dma_start3A_263] : memref<256x64xf32, #tpu.memory_space<vmem>> -> memref<1x64xf32, #tpu.memory_space<vmem>>
        %dma_start3A_265 = tpu.memref_squeeze %dma_start3A_264 : memref<1x64xf32, #tpu.memory_space<vmem>> -> memref<64xf32, #tpu.memory_space<vmem>>
        %dma_start3A_266 = arith.constant 0 : i32
        %dma_start3A_267 = tpu.memref_slice %arg3[%squeeze3A_250, %squeeze3A_252, %dma_start3A_266] : memref<2x500000x64xf32, #tpu.memory_space<hbm>> -> memref<1x1x64xf32, #tpu.memory_space<hbm>>
        %dma_start3A_268 = tpu.memref_squeeze %dma_start3A_267 : memref<1x1x64xf32, #tpu.memory_space<hbm>> -> memref<64xf32, #tpu.memory_space<hbm>>
        tpu.enqueue_dma source(%dma_start3A_268 : memref<64xf32, #tpu.memory_space<hbm>>) target(%dma_start3A_265 : memref<64xf32, #tpu.memory_space<vmem>>) target_semaphore(%arg8 : memref<!tpu.dma_semaphore, #tpu.memory_space<semaphore_mem>>)
        %slice3A_269 = vector.extract_strided_slice %select_n3A {offsets = [11], sizes = [1], strides = [1]} : vector<16xi32> to vector<1xi32>
        %squeeze3A_270 = vector.extract %slice3A_269[0] : i32 from vector<1xi32>
        %slice3A_271 = vector.extract_strided_slice %sub3A {offsets = [11], sizes = [1], strides = [1]} : vector<16xi32> to vector<1xi32>
        %squeeze3A_272 = vector.extract %slice3A_271[0] : i32 from vector<1xi32>
        %mul3A_273 = arith.constant 16 : i32
        %mul3A_274 = arith.muli %scan3A_38, %mul3A_273 : i32
        %add3A_275 = arith.constant 11 : i32
        %add3A_276 = arith.addi %mul3A_274, %add3A_275 : i32
        %dma_start3A_277 = arith.constant 0 : i32
        %dma_start3A_278 = tpu.memref_slice %arg6[%add3A_276, %dma_start3A_277] : memref<256x64xf32, #tpu.memory_space<vmem>> -> memref<1x64xf32, #tpu.memory_space<vmem>>
        %dma_start3A_279 = tpu.memref_squeeze %dma_start3A_278 : memref<1x64xf32, #tpu.memory_space<vmem>> -> memref<64xf32, #tpu.memory_space<vmem>>
        %dma_start3A_280 = arith.constant 0 : i32
        %dma_start3A_281 = tpu.memref_slice %arg3[%squeeze3A_270, %squeeze3A_272, %dma_start3A_280] : memref<2x500000x64xf32, #tpu.memory_space<hbm>> -> memref<1x1x64xf32, #tpu.memory_space<hbm>>
        %dma_start3A_282 = tpu.memref_squeeze %dma_start3A_281 : memref<1x1x64xf32, #tpu.memory_space<hbm>> -> memref<64xf32, #tpu.memory_space<hbm>>
        %dma_start3A_283 = arith.constant 0 : i32
        %dma_start3A_284 = tpu.memref_slice %arg6[%add3A_276, %dma_start3A_283] : memref<256x64xf32, #tpu.memory_space<vmem>> -> memref<1x64xf32, #tpu.memory_space<vmem>>
        %dma_start3A_285 = tpu.memref_squeeze %dma_start3A_284 : memref<1x64xf32, #tpu.memory_space<vmem>> -> memref<64xf32, #tpu.memory_space<vmem>>
        %dma_start3A_286 = arith.constant 0 : i32
        %dma_start3A_287 = tpu.memref_slice %arg3[%squeeze3A_270, %squeeze3A_272, %dma_start3A_286] : memref<2x500000x64xf32, #tpu.memory_space<hbm>> -> memref<1x1x64xf32, #tpu.memory_space<hbm>>
        %dma_start3A_288 = tpu.memref_squeeze %dma_start3A_287 : memref<1x1x64xf32, #tpu.memory_space<hbm>> -> memref<64xf32, #tpu.memory_space<hbm>>
        tpu.enqueue_dma source(%dma_start3A_288 : memref<64xf32, #tpu.memory_space<hbm>>) target(%dma_start3A_285 : memref<64xf32, #tpu.memory_space<vmem>>) target_semaphore(%arg8 : memref<!tpu.dma_semaphore, #tpu.memory_space<semaphore_mem>>)
        %slice3A_289 = vector.extract_strided_slice %select_n3A {offsets = [12], sizes = [1], strides = [1]} : vector<16xi32> to vector<1xi32>
        %squeeze3A_290 = vector.extract %slice3A_289[0] : i32 from vector<1xi32>
        %slice3A_291 = vector.extract_strided_slice %sub3A {offsets = [12], sizes = [1], strides = [1]} : vector<16xi32> to vector<1xi32>
        %squeeze3A_292 = vector.extract %slice3A_291[0] : i32 from vector<1xi32>
        %mul3A_293 = arith.constant 16 : i32
        %mul3A_294 = arith.muli %scan3A_38, %mul3A_293 : i32
        %add3A_295 = arith.constant 12 : i32
        %add3A_296 = arith.addi %mul3A_294, %add3A_295 : i32
        %dma_start3A_297 = arith.constant 0 : i32
        %dma_start3A_298 = tpu.memref_slice %arg6[%add3A_296, %dma_start3A_297] : memref<256x64xf32, #tpu.memory_space<vmem>> -> memref<1x64xf32, #tpu.memory_space<vmem>>
        %dma_start3A_299 = tpu.memref_squeeze %dma_start3A_298 : memref<1x64xf32, #tpu.memory_space<vmem>> -> memref<64xf32, #tpu.memory_space<vmem>>
        %dma_start3A_300 = arith.constant 0 : i32
        %dma_start3A_301 = tpu.memref_slice %arg3[%squeeze3A_290, %squeeze3A_292, %dma_start3A_300] : memref<2x500000x64xf32, #tpu.memory_space<hbm>> -> memref<1x1x64xf32, #tpu.memory_space<hbm>>
        %dma_start3A_302 = tpu.memref_squeeze %dma_start3A_301 : memref<1x1x64xf32, #tpu.memory_space<hbm>> -> memref<64xf32, #tpu.memory_space<hbm>>
        %dma_start3A_303 = arith.constant 0 : i32
        %dma_start3A_304 = tpu.memref_slice %arg6[%add3A_296, %dma_start3A_303] : memref<256x64xf32, #tpu.memory_space<vmem>> -> memref<1x64xf32, #tpu.memory_space<vmem>>
        %dma_start3A_305 = tpu.memref_squeeze %dma_start3A_304 : memref<1x64xf32, #tpu.memory_space<vmem>> -> memref<64xf32, #tpu.memory_space<vmem>>
        %dma_start3A_306 = arith.constant 0 : i32
        %dma_start3A_307 = tpu.memref_slice %arg3[%squeeze3A_290, %squeeze3A_292, %dma_start3A_306] : memref<2x500000x64xf32, #tpu.memory_space<hbm>> -> memref<1x1x64xf32, #tpu.memory_space<hbm>>
        %dma_start3A_308 = tpu.memref_squeeze %dma_start3A_307 : memref<1x1x64xf32, #tpu.memory_space<hbm>> -> memref<64xf32, #tpu.memory_space<hbm>>
        tpu.enqueue_dma source(%dma_start3A_308 : memref<64xf32, #tpu.memory_space<hbm>>) target(%dma_start3A_305 : memref<64xf32, #tpu.memory_space<vmem>>) target_semaphore(%arg8 : memref<!tpu.dma_semaphore, #tpu.memory_space<semaphore_mem>>)
        %slice3A_309 = vector.extract_strided_slice %select_n3A {offsets = [13], sizes = [1], strides = [1]} : vector<16xi32> to vector<1xi32>
        %squeeze3A_310 = vector.extract %slice3A_309[0] : i32 from vector<1xi32>
        %slice3A_311 = vector.extract_strided_slice %sub3A {offsets = [13], sizes = [1], strides = [1]} : vector<16xi32> to vector<1xi32>
        %squeeze3A_312 = vector.extract %slice3A_311[0] : i32 from vector<1xi32>
        %mul3A_313 = arith.constant 16 : i32
        %mul3A_314 = arith.muli %scan3A_38, %mul3A_313 : i32
        %add3A_315 = arith.constant 13 : i32
        %add3A_316 = arith.addi %mul3A_314, %add3A_315 : i32
        %dma_start3A_317 = arith.constant 0 : i32
        %dma_start3A_318 = tpu.memref_slice %arg6[%add3A_316, %dma_start3A_317] : memref<256x64xf32, #tpu.memory_space<vmem>> -> memref<1x64xf32, #tpu.memory_space<vmem>>
        %dma_start3A_319 = tpu.memref_squeeze %dma_start3A_318 : memref<1x64xf32, #tpu.memory_space<vmem>> -> memref<64xf32, #tpu.memory_space<vmem>>
        %dma_start3A_320 = arith.constant 0 : i32
        %dma_start3A_321 = tpu.memref_slice %arg3[%squeeze3A_310, %squeeze3A_312, %dma_start3A_320] : memref<2x500000x64xf32, #tpu.memory_space<hbm>> -> memref<1x1x64xf32, #tpu.memory_space<hbm>>
        %dma_start3A_322 = tpu.memref_squeeze %dma_start3A_321 : memref<1x1x64xf32, #tpu.memory_space<hbm>> -> memref<64xf32, #tpu.memory_space<hbm>>
        %dma_start3A_323 = arith.constant 0 : i32
        %dma_start3A_324 = tpu.memref_slice %arg6[%add3A_316, %dma_start3A_323] : memref<256x64xf32, #tpu.memory_space<vmem>> -> memref<1x64xf32, #tpu.memory_space<vmem>>
        %dma_start3A_325 = tpu.memref_squeeze %dma_start3A_324 : memref<1x64xf32, #tpu.memory_space<vmem>> -> memref<64xf32, #tpu.memory_space<vmem>>
        %dma_start3A_326 = arith.constant 0 : i32
        %dma_start3A_327 = tpu.memref_slice %arg3[%squeeze3A_310, %squeeze3A_312, %dma_start3A_326] : memref<2x500000x64xf32, #tpu.memory_space<hbm>> -> memref<1x1x64xf32, #tpu.memory_space<hbm>>
        %dma_start3A_328 = tpu.memref_squeeze %dma_start3A_327 : memref<1x1x64xf32, #tpu.memory_space<hbm>> -> memref<64xf32, #tpu.memory_space<hbm>>
        tpu.enqueue_dma source(%dma_start3A_328 : memref<64xf32, #tpu.memory_space<hbm>>) target(%dma_start3A_325 : memref<64xf32, #tpu.memory_space<vmem>>) target_semaphore(%arg8 : memref<!tpu.dma_semaphore, #tpu.memory_space<semaphore_mem>>)
        %slice3A_329 = vector.extract_strided_slice %select_n3A {offsets = [14], sizes = [1], strides = [1]} : vector<16xi32> to vector<1xi32>
        %squeeze3A_330 = vector.extract %slice3A_329[0] : i32 from vector<1xi32>
        %slice3A_331 = vector.extract_strided_slice %sub3A {offsets = [14], sizes = [1], strides = [1]} : vector<16xi32> to vector<1xi32>
        %squeeze3A_332 = vector.extract %slice3A_331[0] : i32 from vector<1xi32>
        %mul3A_333 = arith.constant 16 : i32
        %mul3A_334 = arith.muli %scan3A_38, %mul3A_333 : i32
        %add3A_335 = arith.constant 14 : i32
        %add3A_336 = arith.addi %mul3A_334, %add3A_335 : i32
        %dma_start3A_337 = arith.constant 0 : i32
        %dma_start3A_338 = tpu.memref_slice %arg6[%add3A_336, %dma_start3A_337] : memref<256x64xf32, #tpu.memory_space<vmem>> -> memref<1x64xf32, #tpu.memory_space<vmem>>
        %dma_start3A_339 = tpu.memref_squeeze %dma_start3A_338 : memref<1x64xf32, #tpu.memory_space<vmem>> -> memref<64xf32, #tpu.memory_space<vmem>>
        %dma_start3A_340 = arith.constant 0 : i32
        %dma_start3A_341 = tpu.memref_slice %arg3[%squeeze3A_330, %squeeze3A_332, %dma_start3A_340] : memref<2x500000x64xf32, #tpu.memory_space<hbm>> -> memref<1x1x64xf32, #tpu.memory_space<hbm>>
        %dma_start3A_342 = tpu.memref_squeeze %dma_start3A_341 : memref<1x1x64xf32, #tpu.memory_space<hbm>> -> memref<64xf32, #tpu.memory_space<hbm>>
        %dma_start3A_343 = arith.constant 0 : i32
        %dma_start3A_344 = tpu.memref_slice %arg6[%add3A_336, %dma_start3A_343] : memref<256x64xf32, #tpu.memory_space<vmem>> -> memref<1x64xf32, #tpu.memory_space<vmem>>
        %dma_start3A_345 = tpu.memref_squeeze %dma_start3A_344 : memref<1x64xf32, #tpu.memory_space<vmem>> -> memref<64xf32, #tpu.memory_space<vmem>>
        %dma_start3A_346 = arith.constant 0 : i32
        %dma_start3A_347 = tpu.memref_slice %arg3[%squeeze3A_330, %squeeze3A_332, %dma_start3A_346] : memref<2x500000x64xf32, #tpu.memory_space<hbm>> -> memref<1x1x64xf32, #tpu.memory_space<hbm>>
        %dma_start3A_348 = tpu.memref_squeeze %dma_start3A_347 : memref<1x1x64xf32, #tpu.memory_space<hbm>> -> memref<64xf32, #tpu.memory_space<hbm>>
        tpu.enqueue_dma source(%dma_start3A_348 : memref<64xf32, #tpu.memory_space<hbm>>) target(%dma_start3A_345 : memref<64xf32, #tpu.memory_space<vmem>>) target_semaphore(%arg8 : memref<!tpu.dma_semaphore, #tpu.memory_space<semaphore_mem>>)
        %slice3A_349 = vector.extract_strided_slice %select_n3A {offsets = [15], sizes = [1], strides = [1]} : vector<16xi32> to vector<1xi32>
        %squeeze3A_350 = vector.extract %slice3A_349[0] : i32 from vector<1xi32>
        %slice3A_351 = vector.extract_strided_slice %sub3A {offsets = [15], sizes = [1], strides = [1]} : vector<16xi32> to vector<1xi32>
        %squeeze3A_352 = vector.extract %slice3A_351[0] : i32 from vector<1xi32>
        %mul3A_353 = arith.constant 16 : i32
        %mul3A_354 = arith.muli %scan3A_38, %mul3A_353 : i32
        %add3A_355 = arith.constant 15 : i32
        %add3A_356 = arith.addi %mul3A_354, %add3A_355 : i32
        %dma_start3A_357 = arith.constant 0 : i32
        %dma_start3A_358 = tpu.memref_slice %arg6[%add3A_356, %dma_start3A_357] : memref<256x64xf32, #tpu.memory_space<vmem>> -> memref<1x64xf32, #tpu.memory_space<vmem>>
        %dma_start3A_359 = tpu.memref_squeeze %dma_start3A_358 : memref<1x64xf32, #tpu.memory_space<vmem>> -> memref<64xf32, #tpu.memory_space<vmem>>
        %dma_start3A_360 = arith.constant 0 : i32
        %dma_start3A_361 = tpu.memref_slice %arg3[%squeeze3A_350, %squeeze3A_352, %dma_start3A_360] : memref<2x500000x64xf32, #tpu.memory_space<hbm>> -> memref<1x1x64xf32, #tpu.memory_space<hbm>>
        %dma_start3A_362 = tpu.memref_squeeze %dma_start3A_361 : memref<1x1x64xf32, #tpu.memory_space<hbm>> -> memref<64xf32, #tpu.memory_space<hbm>>
        %dma_start3A_363 = arith.constant 0 : i32
        %dma_start3A_364 = tpu.memref_slice %arg6[%add3A_356, %dma_start3A_363] : memref<256x64xf32, #tpu.memory_space<vmem>> -> memref<1x64xf32, #tpu.memory_space<vmem>>
        %dma_start3A_365 = tpu.memref_squeeze %dma_start3A_364 : memref<1x64xf32, #tpu.memory_space<vmem>> -> memref<64xf32, #tpu.memory_space<vmem>>
        %dma_start3A_366 = arith.constant 0 : i32
        %dma_start3A_367 = tpu.memref_slice %arg3[%squeeze3A_350, %squeeze3A_352, %dma_start3A_366] : memref<2x500000x64xf32, #tpu.memory_space<hbm>> -> memref<1x1x64xf32, #tpu.memory_space<hbm>>
        %dma_start3A_368 = tpu.memref_squeeze %dma_start3A_367 : memref<1x1x64xf32, #tpu.memory_space<hbm>> -> memref<64xf32, #tpu.memory_space<hbm>>
        tpu.enqueue_dma source(%dma_start3A_368 : memref<64xf32, #tpu.memory_space<hbm>>) target(%dma_start3A_365 : memref<64xf32, #tpu.memory_space<vmem>>) target_semaphore(%arg8 : memref<!tpu.dma_semaphore, #tpu.memory_space<semaphore_mem>>)
      }
      %scan3A_16 = arith.constant 16 : i32
      %dma_wait3A = arith.constant 0 : i32
      %dma_wait3A_17 = arith.constant 0 : i32
      %dma_wait3A_18 = arith.constant 0 : i32
      %dma_wait3A_19 = tpu.memref_slice %arg3[%dma_wait3A, %dma_wait3A_17, %dma_wait3A_18] : memref<2x500000x64xf32, #tpu.memory_space<hbm>> -> memref<1x256x64xf32, #tpu.memory_space<hbm>>
      %dma_wait3A_20 = tpu.memref_squeeze %dma_wait3A_19 : memref<1x256x64xf32, #tpu.memory_space<hbm>> -> memref<256x64xf32, #tpu.memory_space<hbm>>
      %dma_wait3A_21 = arith.constant 0 : i32
      %dma_wait3A_22 = arith.constant 0 : i32
      %dma_wait3A_23 = tpu.memref_slice %arg3[%dma_wait3A, %dma_wait3A_21, %dma_wait3A_22] : memref<2x500000x64xf32, #tpu.memory_space<hbm>> -> memref<1x256x64xf32, #tpu.memory_space<hbm>>
      %dma_wait3A_24 = tpu.memref_squeeze %dma_wait3A_23 : memref<1x256x64xf32, #tpu.memory_space<hbm>> -> memref<256x64xf32, #tpu.memory_space<hbm>>
      tpu.wait_dma2 semaphore(%arg8 : memref<!tpu.dma_semaphore, #tpu.memory_space<semaphore_mem>>) src(%dma_wait3A_24 : memref<256x64xf32, #tpu.memory_space<hbm>>) dst(%arg6 : memref<256x64xf32, #tpu.memory_space<vmem>>)
      %scan3A_25 = arith.constant 0 : i32
      %scan3A_26 = arith.constant 0 : i32
      %scan3A_27 = arith.constant 256 : i32
      %scan3A_28 = arith.addi %scan3A_26, %scan3A_27 : i32
      %scan3A_29 = arith.constant 1 : i32
      scf.for %scan3A_38 = %scan3A_26 to %scan3A_28 step %scan3A_29  : i32 {
        %broadcast_in_dim3A = vector.broadcast %scan3A_38 : i32 to vector<16xi32>
        %get3A = arith.index_cast %scan3A_38 : i32 to index
        %get3A_39 = arith.constant 0 : index
        %get3A_40 = tpu.vector_load %arg6[%get3A, %get3A_39] {strides = array<i32>} : memref<256x64xf32, #tpu.memory_space<vmem>>, vector<16xf32>,
        %mul3A_41 = arith.constant 8.000000e+00 : f32
        %mul3A_42 = vector.broadcast %mul3A_41 : f32 to vector<16xf32>
        %mul3A_43 = arith.mulf %get3A_40, %mul3A_42 : vector<16xf32>
        %add3A_44 = arith.constant 0 : i32
        %add3A_45 = vector.broadcast %add3A_44 : i32 to vector<16xi32>
        %add3A_46 = arith.addi %iota3A, %add3A_45 : vector<16xi32>
        tpu.vector_store_idx %arg7[%add3A_46, %broadcast_in_dim3A], %mul3A_43 : memref<64x256xf32, #tpu.memory_space<vmem>>[vector<16xi32>, vector<16xi32>], vector<16xf32>,
        %get3A_47 = arith.index_cast %scan3A_38 : i32 to index
        %get3A_48 = arith.constant 16 : index
        %get3A_49 = tpu.vector_load %arg6[%get3A_47, %get3A_48] {strides = array<i32>} : memref<256x64xf32, #tpu.memory_space<vmem>>, vector<16xf32>,
        %mul3A_50 = arith.constant 8.000000e+00 : f32
        %mul3A_51 = vector.broadcast %mul3A_50 : f32 to vector<16xf32>
        %mul3A_52 = arith.mulf %get3A_49, %mul3A_51 : vector<16xf32>
        %add3A_53 = arith.constant 16 : i32
        %add3A_54 = vector.broadcast %add3A_53 : i32 to vector<16xi32>
        %add3A_55 = arith.addi %iota3A, %add3A_54 : vector<16xi32>
        tpu.vector_store_idx %arg7[%add3A_55, %broadcast_in_dim3A], %mul3A_52 : memref<64x256xf32, #tpu.memory_space<vmem>>[vector<16xi32>, vector<16xi32>], vector<16xf32>,
        %get3A_56 = arith.index_cast %scan3A_38 : i32 to index
        %get3A_57 = arith.constant 32 : index
        %get3A_58 = tpu.vector_load %arg6[%get3A_56, %get3A_57] {strides = array<i32>} : memref<256x64xf32, #tpu.memory_space<vmem>>, vector<16xf32>,
        %mul3A_59 = arith.constant 8.000000e+00 : f32
        %mul3A_60 = vector.broadcast %mul3A_59 : f32 to vector<16xf32>
        %mul3A_61 = arith.mulf %get3A_58, %mul3A_60 : vector<16xf32>
        %add3A_62 = arith.constant 32 : i32
        %add3A_63 = vector.broadcast %add3A_62 : i32 to vector<16xi32>
        %add3A_64 = arith.addi %iota3A, %add3A_63 : vector<16xi32>
        tpu.vector_store_idx %arg7[%add3A_64, %broadcast_in_dim3A], %mul3A_61 : memref<64x256xf32, #tpu.memory_space<vmem>>[vector<16xi32>, vector<16xi32>], vector<16xf32>,
        %get3A_65 = arith.index_cast %scan3A_38 : i32 to index
        %get3A_66 = arith.constant 48 : index
        %get3A_67 = tpu.vector_load %arg6[%get3A_65, %get3A_66] {strides = array<i32>} : memref<256x64xf32, #tpu.memory_space<vmem>>, vector<16xf32>,
        %mul3A_68 = arith.constant 8.000000e+00 : f32
        %mul3A_69 = vector.broadcast %mul3A_68 : f32 to vector<16xf32>
        %mul3A_70 = arith.mulf %get3A_67, %mul3A_69 : vector<16xf32>
        %add3A_71 = arith.constant 48 : i32
        %add3A_72 = vector.broadcast %add3A_71 : i32 to vector<16xi32>
        %add3A_73 = arith.addi %iota3A, %add3A_72 : vector<16xi32>
        tpu.vector_store_idx %arg7[%add3A_73, %broadcast_in_dim3A], %mul3A_70 : memref<64x256xf32, #tpu.memory_space<vmem>>[vector<16xi32>, vector<16xi32>], vector<16xf32>,
      }
      %scan3A_30 = arith.constant 256 : i32
      %mul3A_31 = arith.constant 2 : i32
      %mul3A_32 = arith.muli %scan3A_10, %mul3A_31 : i32
      %add3A_33 = arith.addi %mul3A_4, %mul3A_32 : i32
      %shift_right_logical3A = arith.constant 5 : i32
      %shift_right_logical3A_34 = arith.shrui %add3A_33, %shift_right_logical3A : i32
      %and3A = arith.constant 31 : i32
      %and3A_35 = arith.andi %add3A_33, %and3A : i32
      %mul3A_36 = arith.constant 128 : i32
      %mul3A_37 = arith.muli %and3A_35, %mul3A_36 : i32
      "tpu.region"() ({
        %run_scoped3A = tpu.sem_alloc : memref<!tpu.dma_semaphore, #tpu.memory_space<semaphore_mem>>
        %dma_start3A = arith.constant 0 : i32
        %dma_start3A_38 = tpu.memref_slice %arg4[%shift_right_logical3A_34, %dma_start3A, %mul3A_37] : memref<50x64x4096xf32, #tpu.memory_space<hbm>> -> memref<1x64x256xf32, #tpu.memory_space<hbm>>
        %dma_start3A_39 = tpu.memref_squeeze %dma_start3A_38 : memref<1x64x256xf32, #tpu.memory_space<hbm>> -> memref<64x256xf32, #tpu.memory_space<hbm>>
        %dma_start3A_40 = arith.constant 0 : i32
        %dma_start3A_41 = tpu.memref_slice %arg4[%shift_right_logical3A_34, %dma_start3A_40, %mul3A_37] : memref<50x64x4096xf32, #tpu.memory_space<hbm>> -> memref<1x64x256xf32, #tpu.memory_space<hbm>>
        %dma_start3A_42 = tpu.memref_squeeze %dma_start3A_41 : memref<1x64x256xf32, #tpu.memory_space<hbm>> -> memref<64x256xf32, #tpu.memory_space<hbm>>
        tpu.enqueue_dma source(%arg7 : memref<64x256xf32, #tpu.memory_space<vmem>>) target(%dma_start3A_42 : memref<64x256xf32, #tpu.memory_space<hbm>>) target_semaphore(%run_scoped3A : memref<!tpu.dma_semaphore, #tpu.memory_space<semaphore_mem>>)
        %dma_wait3A_43 = arith.constant 0 : i32
        %dma_wait3A_44 = tpu.memref_slice %arg4[%shift_right_logical3A_34, %dma_wait3A_43, %mul3A_37] : memref<50x64x4096xf32, #tpu.memory_space<hbm>> -> memref<1x64x256xf32, #tpu.memory_space<hbm>>
        %dma_wait3A_45 = tpu.memref_squeeze %dma_wait3A_44 : memref<1x64x256xf32, #tpu.memory_space<hbm>> -> memref<64x256xf32, #tpu.memory_space<hbm>>
        %dma_wait3A_46 = arith.constant 0 : i32
        %dma_wait3A_47 = tpu.memref_slice %arg4[%shift_right_logical3A_34, %dma_wait3A_46, %mul3A_37] : memref<50x64x4096xf32, #tpu.memory_space<hbm>> -> memref<1x64x256xf32, #tpu.memory_space<hbm>>
        %dma_wait3A_48 = tpu.memref_squeeze %dma_wait3A_47 : memref<1x64x256xf32, #tpu.memory_space<hbm>> -> memref<64x256xf32, #tpu.memory_space<hbm>>
        tpu.wait_dma2 semaphore(%run_scoped3A : memref<!tpu.dma_semaphore, #tpu.memory_space<semaphore_mem>>) src(%arg7 : memref<64x256xf32, #tpu.memory_space<vmem>>) dst(%dma_wait3A_48 : memref<64x256xf32, #tpu.memory_space<hbm>>)
        tpu.yield
      }) : () -> ()
    }
    %scan3A_9 = arith.constant 25 : i32
    return
  }
}

</mosaic_0001>

<sc_bundles>
// kernel: _emb_lookup.3.cloned.1.call-start
scs
__scs_entry_jumppad:
0x0: {  	(pc) =	sbr.rel $0x88, $3  }
0x1: {  	(tag) =	ssettag $0x0;
	lr =	simm.s32 $0x1  }
0x2: {  	[smem:$0x3F9F] =	sst lr;
	_ =	strace $0xD0000000  }
0x3: {  	_ = 	snop  }
0x4: {  	_ = 	snop  }
0x5: {  	_ = 	snop  }
0x6: {  	_ = 	snop  }
0x7: {  	_ = 	snop  }
__scs_overlays_trampoline_lowered:
0x8: {  	[smem:$0x3FAE] =	sst s0  }
0x9: {  	[smem:$0x3FAF] =	sst s1  }
0xa: {  	[smem:$0x3FB0] =	sst s2  }
0xb: {  	[smem:$0x3FB1] =	sst s3  }
0xc: {  	[smem:$0x3FB2] =	sst s4  }
0xd: {  	[smem:$0x3FB3] =	sst s5  }
0xe: {  	[smem:$0x3FB4] =	sst s6  }
0xf: {  	[smem:$0x3FB5] =	sst s7  }
0x10: {  	[smem:$0x3FB6] =	sst s8  }
0x11: {  	[smem:$0x3FB7] =	sst s9;
	s0 =	simm.s32 @!p0 $0x0  }
0x12: {  	s1 =	sld [smem:$0x3F9D];
	s0 =	simm.s32 @p0 $0x1  }
0x13: {  	[smem:$0x3FB8] =	sst s0;
	s0 =	simm.s32 @!p1 $0x0  }
0x14: {  	s2 =	sld [smem:$0x3F9C];
	s0 =	simm.s32 @p1 $0x1  }
0x15: {  	[smem:$0x3FB9] =	sst s0;
	s0 =	simm.s32 @!p2 $0x0  }
0x16: {  	s3 =	sld [smem:$0x3FDB];
	s0 =	simm.s32 @p2 $0x1  }
0x17: {  	s4 =	simm.s32 $0x1BF5;
	[smem:$0x3FBB] =	sst s0  }
0x18: {  	s0 =	sld [smem:$0x3F9E];
	_ =	swait.ge [sflag:s4], $0x0  }
0x19: {  	s7 =	sld [smem:$0x3F9F]  }
0x1a: {  	s8 =	sadd.s32 $0xFFFFE003, lr  }
0x1b: {  	s9 =	sadd.s32 $0xFFFFFEF7, lr;
	s5 =	simm.s32 $0xFFFFFFFF;
	p2 =	slt.u32 s8, $0xFFFFF086  }
0x1c: {  	p1 =	slt.u32 s9, $0xF7A;
	s5 =	simm.s32 @!p2 $0x0  }
0x1d: {  	s5 =	simm.s32 @p1 $0x1;
	p0 =	seq.s32 s7, s2  }
0x1e: {  	s7 =	smul.u32 @!p0 $0xF7A, s2;
	p2 =	seq.s32 @!p0 s5, $0x0  }
0x1f: {  	s9 =	smul.u32 $0xF7A, s1;
	s8 =	simm.s32 @!p0 $0x1BF5;
	p2 =	por !p2, p0  }
0x20: {  	[sflag:s8] =	ssyncset.s32 @!p0 $0xFFFFF086;
	s6 =	sadd.s32 @!p0 s3, s7;
	s7 =	simm.s32 @!p0 $0x108  }
0x21: {  	s3 =	sadd.s32 s3, s9;
	s6 =	sadd.s32 @!p0 $0x88, s6;
	s7 =	simm.s32 @p2 $0x1082  }
0x22: {  	[simem:s7], [sflag:s8] =	dma.local @!p0 [hbm:s6], $0xF7A  }
0x23: {  	s9 =	sor.u32 $0xD0000000, s2;
	s6 =	simm.s32 $0x108;
	_ =	swait.ge @!p0 [sflag:s8], $0x0  }
0x24: {  	s3 =	sadd.s32 $0x88, s3;
	s6 =	simm.s32 @!p1 $0x1082;
	[sflag:s4] =	ssyncset.s32 $0xFFFFF086  }
0x25: {  	[simem:s6], [sflag:s4] =	dma.local [hbm:s3], $0xF7A  }
0x26: {  	[smem:$0x3F9F] =	sst s1;
	(tag) =	ssettag s2;
	_ =	strace s9  }
0x27: {  	s1 =	sld [smem:$0x3FAF]  }
0x28: {  	s2 =	sld [smem:$0x3FB0]  }
0x29: {  	s4 =	sld [smem:$0x3FB2]  }
0x2a: {  	p0 =	seq.s32 s5, $0x0;
	s5 =	sld [smem:$0x3FB3]  }
0x2b: {  	s6 =	sld [smem:$0x3FB4]  }
0x2c: {  	s7 =	sld [smem:$0x3FB5]  }
0x2d: {  	s3 =	simm.s32 $0x108;
	s8 =	sld [smem:$0x3FB6]  }
0x2e: {  	s3 =	simm.s32 @!p0 $0x1082;
	s9 =	sld [smem:$0x3FB7]  }
0x2f: {  	lr =	sadd.s32 s0, s3;
	s0 =	sld [smem:$0x3FAE]  }
0x30: {  	s3 =	sld [smem:$0x3FB1]  }
0x31: {  	[smem:$0x3FBA] =	sst s10  }
0x32: {  	s10 =	sld [smem:$0x3FB8];
	_ =	sdelay $0x3  }
0x33: {  	p0 =	seq.s32 s10, $0x1;
	s10 =	sld [smem:$0x3FBA];
	_ =	sdelay $0x3  }
0x34: {  	[smem:$0x3FBA] =	sst s10  }
0x35: {  	s10 =	sld [smem:$0x3FB9];
	_ =	sdelay $0x3  }
0x36: {  	p1 =	seq.s32 s10, $0x1;
	s10 =	sld [smem:$0x3FBA];
	_ =	sdelay $0x3  }
0x37: {  	[smem:$0x3FBA] =	sst s10  }
0x38: {  	s10 =	sld [smem:$0x3FBB]  }
0x39: {  	_ = 	snop;
	(pc) =	sbr.ind lr, $3  }
0x3a: {  	_ = 	snop  }
0x3b: {  	_ = 	snop  }
0x3c: {  	p2 =	seq.s32 s10, $0x1;
	s10 =	sld [smem:$0x3FBA]  }
0x3d: {  	_ =	shalt  }
0x3e: {  	_ =	shalt  }
0x3f: {  	_ =	shalt  }
0x40: {  	_ =	shalt  }
0x41: {  	_ =	shalt  }
0x42: {  	_ =	shalt  }
0x43: {  	_ =	shalt  }
0x44: {  	_ =	shalt  }
0x45: {  	_ =	shalt  }
0x46: {  	_ =	shalt  }
0x47: {  	_ =	shalt  }
0x48: {  	_ =	shalt  }
0x49: {  	_ =	shalt  }
0x4a: {  	_ =	shalt  }
0x4b: {  	_ =	shalt  }
0x4c: {  	_ =	shalt  }
0x4d: {  	_ =	shalt  }
0x4e: {  	_ =	shalt  }
0x4f: {  	_ =	shalt  }
0x50: {  	_ =	shalt  }
0x51: {  	_ =	shalt  }
0x52: {  	_ =	shalt  }
0x53: {  	_ =	shalt  }
0x54: {  	_ =	shalt  }
0x55: {  	_ =	shalt  }
0x56: {  	_ =	shalt  }
0x57: {  	_ =	shalt  }
0x58: {  	_ =	shalt  }
0x59: {  	_ =	shalt  }
0x5a: {  	_ =	shalt  }
0x5b: {  	_ =	shalt  }
0x5c: {  	_ =	shalt  }
0x5d: {  	_ =	shalt  }
0x5e: {  	_ =	shalt  }
0x5f: {  	_ =	shalt  }
0x60: {  	_ =	shalt  }
0x61: {  	_ =	shalt  }
0x62: {  	_ =	shalt  }
0x63: {  	_ =	shalt  }
0x64: {  	_ =	shalt  }
0x65: {  	_ =	shalt  }
0x66: {  	_ =	shalt  }
0x67: {  	_ =	shalt  }
0x68: {  	_ =	shalt  }
0x69: {  	_ =	shalt  }
0x6a: {  	_ =	shalt  }
0x6b: {  	_ =	shalt  }
0x6c: {  	_ =	shalt  }
0x6d: {  	_ =	shalt  }
0x6e: {  	_ =	shalt  }
0x6f: {  	_ =	shalt  }
0x70: {  	_ =	shalt  }
0x71: {  	_ =	shalt  }
0x72: {  	_ =	shalt  }
0x73: {  	_ =	shalt  }
0x74: {  	_ =	shalt  }
0x75: {  	_ =	shalt  }
0x76: {  	_ =	shalt  }
0x77: {  	_ =	shalt  }
0x78: {  	_ =	shalt  }
0x79: {  	_ =	shalt  }
0x7a: {  	_ =	shalt  }
0x7b: {  	_ =	shalt  }
0x7c: {  	_ =	shalt  }
0x7d: {  	_ =	shalt  }
0x7e: {  	_ =	shalt  }
0x7f: {  	_ =	shalt  }
0x80: {  	_ =	shalt  }
0x81: {  	_ =	shalt  }
0x82: {  	_ =	shalt  }
0x83: {  	_ =	shalt  }
0x84: {  	_ =	shalt  }
0x85: {  	_ =	shalt  }
0x86: {  	_ =	shalt  }
0x87: {  	_ =	shalt  }
.Lfunc_end0:
.L_simem_size_0:
called_computation_lowered:
.L_overlay_start_0:
0x88: {  	s2 =	sld [smem:$0x3FD9]  }
0x89: {  	s3 =	sld [smem:$0x3FFE];
	_ =	sdelay $0x1  }
0x8a: {  	s1 =	srdreg.scid  }
0x8b: {  	s0 =	sand.u32 $0x1, s1  }
0x8c: {  	s17 =	sshll.u32 s0, $0xA;
	s2 =	sadd.s32 s3, s2  }
0x8d: {  	s2 =	sadd.s32 s2, s17  }
0x8e: {  	[smem:$0x3FC6] =	sst s2  }
0x8f: {  	_ = 	snop  }
0x90: {  	s2 =	sld [smem:$0x3FC9]  }
0x91: {  	s18 =	sld [smem:$0x3FD0];
	(tm) =	ssettm $0x1  }
0x92: {  	s4 =	sld [smem:$0x3FFB];
	_ =	sdelay $0x3  }
0x93: {  	_ =	strace s4  }
0x94: {  	s4 =	sld [smem:$0x3FFC];
	_ =	sdelay $0x3  }
0x95: {  	_ =	strace s4  }
0x96: {  	s4 =	sld [smem:$0x3FFD];
	_ =	sdelay $0x3  }
0x97: {  	_ =	strace s4  }
0x98: {  	_ =	strace $0x8FFFFFFF  }
0x99: {  	s19 =	sld [smem:$0x3FDB];
	_ =	sdelay $0x1  }
0x9a: {  	s5 =	simm.s32 $_scs_section_size  }
0x9b: {  	s6 =	simm.s32 $_size__tile_overlayer_lowered;
	s7 =	simm.s32 $_tile_overlayer_lowered  }
0x9c: {  	s22 =	simm.s32 $0x1BFF;
	s21 =	sshll.u32 s7, $0x1;
	s4 =	sadd.s32 s5, s19  }
0x9d: {  	s8 =	simm.s32 $0x0;
	s20 =	sshll.u32 s6, $0x1;
	s6 =	sadd.s32 s21, s4  }
0x9e: {  	[timem:s8], [sflag:s22] =	dma.local [hbm:s6], s20  }
0x9f: {  	_ =	swait.ge [sflag:s22], s20  }
0xa0: {  	s5 =	ssub.s32 $0x0, s20;
	[sflag:s22] =	ssyncset.done $0x0  }
0xa1: {  	[sflag:s22] =	ssyncadd.s32 s5;
	_ =	sdelay $0x1  }
0xa2: {  	s23 =	simm.s32 $0x1B8B  }
0xa3: {  	_ =	swait.ge [sflag:s23], $0x1  }
0xa4: {  	[sflag:s23] =	ssyncset.done $0x0  }
0xa5: {  	s25 =	simm.s32 $0x1B8E;
	s24 =	sld [smem:$0x3FFE];
	[sflag:s23] =	ssyncadd.s32 $0xFFFFFFFF  }
0xa6: {  	s26 =	simm.s32 $execute0_lowered;
	[smem:$0x3FD2] =	sst s25  }
0xa7: {  	s6 =	sshll.u32 s26, $0x1;
	_ =	strace $0x80000046;
	[dreg:$0x1] =	wrdreg $0xFFFFFFFF  }
0xa8: {  	s28 =	simm.s32 $_size_execute0_lowered;
	s4 =	sadd.s32 s4, s6;
	[dreg:$0x0] =	wrdreg $0x0  }
0xa9: {  	s6 =	sshll.u32 s28, $0x1;
	[dreg:$0x2] =	wrdreg s4  }
0xaa: {  	[dreg:$0x3] =	wrdreg s6  }
0xab: {  	[dreg:$0x4] =	wrdreg $0xC0  }
0xac: {  	_ =	task [dreg:s8], $0x5FFFF  }
0xad: {  	[dreg:$0x1] =	wrdreg $0xFFFFFFFF  }
0xae: {  	[dreg:$0x0] =	wrdreg $0x60  }
0xaf: {  	[dreg:$0x2] =	wrdreg s2  }
0xb0: {  	[dreg:$0x3] =	wrdreg s24  }
0xb1: {  	[dreg:$0x4] =	wrdreg s18  }
0xb2: {  	[dreg:$0x5] =	wrdreg $0x9  }
0xb3: {  	_ =	task.clear_ibuf [dreg:s8], $0x6FFFF;
	_ =	strace $0x90000046  }
0xb4: {  	s29 =	simm.s32 $0x9;
	_ =	strace $0x80000048  }
0xb5: {  	_ =	swait.ge [sflag:s29], $0x1  }
0xb6: {  	[sflag:s29] =	ssyncadd.s32 $0xFFFFFFFF  }
0xb7: {  	_ =	strace $0x90000048  }
0xb8: {  	_ =	sfence  }
0xb9: {  	s30 =	sld [smem:$0x0];
	_ =	sdelay $0x2  }
0xba: {  	s31 =	sshll.u32 s1, $0xD;
	s1 =	sshrl.u32 s1, $0x2  }
0xbb: {  	s3 =	sand.u32 $0x4000, s31;
	s1 =	sadd.s32 s1, s30  }
0xbc: {  	s0 =	sor.u32 s3, s0;
	s1 =	sshll.u32 s1, $0x11  }
0xbd: {  	s0 =	sor.u32 s1, s0  }
0xbe: {  	s0 =	sadd.s32 $0x8F2B, s0  }
0xbf: {  	[sflag:s0] =	ssyncadd.remote.s32 $0x1  }
0xc0: {  	_ =	sfence.sel $0xFFFF  }
0xc1: {  	[dreg:$0x0] =	wrdreg $0xFFFFFFFF;
	(pc) =	sbr.abs _section_cstart, $3  }
0xc2: {  	[dreg:$0x1] =	wrdreg $0xFFFFFFFF  }
0xc3: {  	_ =	task.clear_ibuf [dreg:s8], $0x2FFFF;
	_ =	strace $0x9FFFFFFF  }
0xc4: {  	(tm) =	ssettm $0x7FFFFFFF  }
0xc5: {  	_ =	shalt  }
tec
execute0_lowered:
.L_overlay_start_1:
0x0: {  	(tag) =	ssettag $0x1  }
0x1: {  	v0 =	vimm.s32 $0xB80;
	vm14 =	vcmask $0x300  }
0x2: {  	vm13 =	vcmask $0x704;
	vm12 =	vcmask $0xB08;
	vm11 =	vcmask $0xF0C  }
0x3: {  	vm10 =	vcmask $0x1310;
	vm9 =	vcmask $0x1714;
	vm8 =	vcmask $0x1B18  }
0x4: {  	vm7 =	vcmask $0x1F1C;
	vm6 =	vcmask $0x2320;
	vm5 =	vcmask $0x2724  }
0x5: {  	vm4 =	vcmask $0x2B28;
	vm3 =	vcmask $0x2F2C;
	vm2 =	vcmask $0x3330  }
0x6: {  	vm1 =	vcmask $0x3734;
	vm0 =	vcmask $0x3B38;
	v2 =	vimm.s32 $0x1B80  }
0x7: {  	v3 =	vimm.s32 $0x2B80;
	v4 =	vimm.s32 $0x3B80;
	v0 =	vsel vm14, $0x0, v0  }
0x8: {  	v2 =	vsel vm14, $0x1000, v2;
	v3 =	vsel vm14, $0x2000, v3;
	v4 =	vsel vm14, $0x3000, v4  }
0x9: {  	v0 =	vsel vm13, $0x80, v0;
	v2 =	vsel vm13, $0x1080, v2;
	v3 =	vsel vm13, $0x2080, v3  }
0xa: {  	v4 =	vsel vm13, $0x3080, v4;
	v0 =	vsel vm12, $0x100, v0;
	v2 =	vsel vm12, $0x1100, v2  }
0xb: {  	v3 =	vsel vm12, $0x2100, v3;
	v4 =	vsel vm12, $0x3100, v4;
	v0 =	vsel vm11, $0x180, v0  }
0xc: {  	v2 =	vsel vm11, $0x1180, v2;
	v3 =	vsel vm11, $0x2180, v3;
	v4 =	vsel vm11, $0x3180, v4  }
0xd: {  	v0 =	vsel vm10, $0x200, v0;
	v2 =	vsel vm10, $0x1200, v2;
	v3 =	vsel vm10, $0x2200, v3  }
0xe: {  	v4 =	vsel vm10, $0x3200, v4;
	v0 =	vsel vm9, $0x280, v0;
	v2 =	vsel vm9, $0x1280, v2  }
0xf: {  	v3 =	vsel vm9, $0x2280, v3;
	v4 =	vsel vm9, $0x3280, v4;
	v0 =	vsel vm8, $0x300, v0  }
0x10: {  	v2 =	vsel vm8, $0x1300, v2;
	v3 =	vsel vm8, $0x2300, v3;
	v4 =	vsel vm8, $0x3300, v4  }
0x11: {  	v0 =	vsel vm7, $0x380, v0;
	v2 =	vsel vm7, $0x1380, v2;
	v3 =	vsel vm7, $0x2380, v3  }
0x12: {  	v4 =	vsel vm7, $0x3380, v4;
	v0 =	vsel vm6, $0x800, v0;
	v2 =	vsel vm6, $0x1800, v2  }
0x13: {  	s2 =	srdreg.scid;
	s3 =	stileid.u32;
	v3 =	vsel vm6, $0x2800, v3;
	v4 =	vsel vm6, $0x3800, v4;
	v0 =	vsel vm5, $0x880, v0  }
0x14: {  	s2 =	sand.u32 $0x1, s2;
	s3 =	sshll.u32 s3, $0x1;
	v2 =	vsel vm5, $0x1880, v2;
	v3 =	vsel vm5, $0x2880, v3;
	v4 =	vsel vm5, $0x3880, v4  }
0x15: {  	s5 =	ssub.s32 $0x2, s2;
	s2 =	sor.u32 s2, s3;
	v0 =	vsel vm4, $0x900, v0;
	v2 =	vsel vm4, $0x1900, v2;
	v3 =	vsel vm4, $0x2900, v3  }
0x16: {  	s0 =	rddreg [dreg:$0x0];
	s20 =	simm.s32 $0x0;
	s6 =	smul.u32 $0x320, s2;
	v4 =	vsel vm4, $0x3900, v4;
	v0 =	vsel vm3, $0x980, v0;
	v2 =	vsel vm3, $0x1980, v2  }
0x17: {  	[smem:$0x7FF] =	sst s20;
	s2 =	smul.u32 $0x32, s2;
	v3 =	vsel vm3, $0x2980, v3;
	v4 =	vsel vm3, $0x3980, v4;
	v0 =	vsel vm2, $0xA00, v0  }
0x18: {  	s1 =	rddreg [dreg:$0x1];
	_ =	strace $0x80000047;
	s29 =	sshrl.u32 s5, $0x1;
	v2 =	vsel vm2, $0x1A00, v2;
	v3 =	vsel vm2, $0x2A00, v3;
	v4 =	vsel vm2, $0x3A00, v4  }
0x19: {  	s30 =	ssub.s32 s5, s29;
	[dreg:$0xa] =	wrdreg s2;
	s0 =	sadd.s32 s0, s6;
	v1 =	vsel vm1, $0xA80, v0;
	v0 =	vimm.s32 $0x0;
	v2 =	vsel vm1, $0x1A80, v2  }
0x1a: {  	s31 =	smax.u32 s30, $0x1;
	[dreg:$0xb] =	wrdreg s0;
	v3 =	vsel vm1, $0x2A80, v3;
	v4 =	vsel vm1, $0x3A80, v4;
	v1 =	vsel vm0, $0xB00, v1  }
0x1b: {  	s4 =	sadd.s32 $0x400, s1;
	s1 =	simm.s32 $0x0;
	[dreg:$0xc] =	wrdreg s31;
	v2 =	vsel vm0, $0x1B00, v2;
	v3 =	vsel vm0, $0x2B00, v3;
	v4 =	vsel vm0, $0x3B00, v4  }
.LBB2_1:
0x1c: {  	[dreg:$0xd] =	wrdreg s1  }
0x1d: {  	s0 =	rddreg [dreg:$0xb];
	s31 =	simm.s32 $0x2  }
0x1e: {  	[tilespmem:s20], [sflag:$0x2] =	stream.linear.gather [hbm4b:s0+s20], $0x1900, $0x38;
	[tilespmem:$0xD900] =	vst v63  }
0x1f: {  	_ =	swait.ge [sflag:s31], $0x1900  }
0x20: {  	[sflag:s31] =	ssyncset.done $0x0  }
0x21: {  	s5 =	simm.s32 $0x0;
	[sflag:s31] =	ssyncadd.s32 $0xFFFFE700  }
.LBB2_2:
0x22: {  	s0 =	sshll.u32 s5, $0x8  }
0x23: {  	s0 =	sand.u32 $0x3FFFFF00, s0  }
0x24: {  	s1 =	simm.s32 $0x0;
	[dreg:$0x4] =	wrdreg s0  }
0x25: {  	s2 =	sand.u32 $0x80, s1;
	s0 =	rddreg [dreg:$0x4]  }
0x26: {  	s1 =	sand.u32 $0x70, s1;
	s0 =	sadd.s32 s2, s0  }
0x27: {  	s0 =	sadd.s32 s1, s0  }
0x28: {  	v5 =	vld [tilespmem:s0+$0x0];
	_ =	sdelay $0x4  }
0x29: {  	vm0 =	vgt.s32 v5, $0x7A11F  }
0x2a: {  	v6 =	vsel vm0, $0x1, v0  }
0x2b: {  	v6 =	vmul.u32 $0x3D09000, v6;
	_ =	sdelay $0x1  }
0x2c: {  	v7 =	vsel vm0, $0xFFF85EE0, v0;
	(v2sf) =	vpush v6, $0xE  }
0x2d: {  	v5 =	vadd.s32 v5, v7;
	(v2sf) =	vpush v6, $0x7  }
0x2e: {  	v5 =	vshll.u32 v5, $0x7;
	(v2sf) =	vpush v6, $0x5  }
0x2f: {  	(v2sf) =	vpush v5, $0x6  }
0x30: {  	(v2sf) =	vpush v6, $0x6  }
0x31: {  	(v2sf) =	vpush v5, $0x7  }
0x32: {  	(v2sf) =	vpush v5, $0x4;
	_ =	sdelay $0x1  }
0x33: {  	(v2sf) =	vpush v6, $0x4  }
0x34: {  	(v2sf) =	vpush v5, $0x5  }
0x35: {  	(v2sf) =	vpush v5, $0x3  }
0x36: {  	(v2sf) =	vpush v6, $0x3  }
0x37: {  	(v2sf) =	vpush v6, $0x1  }
0x38: {  	(v2sf) =	vpush v5, $0x1  }
0x39: {  	[dreg:$0xe] =	wrdreg s5;
	(v2sf) =	vpush v6, $0x2  }
0x3a: {  	s16 =	simm.s32 $0x2000;
	s17 =	simm.s32 $0x10;
	(v2sf) =	vpush v5, $0x2;
	s21 =	spop (v2sf)  }
0x3b: {  	s15 =	simm.s32 $0x0;
	s22 =	simm.s32 $0x1D00;
	(v2sf) =	vpush v5, $0x0;
	s0 =	spop (v2sf)  }
0x3c: {  	s7 =	simm.s32 $0x1C80;
	s9 =	simm.s32 $0x1B80;
	s3 =	spop (v2sf)  }
0x3d: {  	s23 =	simm.s32 $0x1980;
	[dreg:$0x5] =	wrdreg s7;
	(v2sf) =	vpush v6, $0x0;
	s1 =	spop (v2sf)  }
0x3e: {  	s11 =	simm.s32 $0x1C00;
	[dreg:$0x6] =	wrdreg s9;
	s14 =	spop (v2sf)  }
0x3f: {  	[dreg:$0x7] =	wrdreg s11;
	(v2sf) =	vpush v5, $0xF;
	s13 =	sand.u32 $0xFFFFFC00, s1;
	s5 =	spop (v2sf)  }
0x40: {  	(v2sf) =	vpush v6, $0xF;
	s1 =	sand.u32 $0x380, s1;
	s2 =	sadd.s32 s14, s13;
	s18 =	spop (v2sf)  }
0x41: {  	(v2sf) =	vpush v5, $0x8;
	s6 =	sand.u32 $0xFFFFFC00, s5;
	s5 =	sand.u32 $0x380, s5;
	s8 =	sand.u32 $0xFFFFFC00, s18  }
0x42: {  	(v2sf) =	vpush v6, $0xA;
	s19 =	spop (v2sf);
	s7 =	sand.u32 $0x380, s18;
	s0 =	sadd.s32 s0, s6  }
0x43: {  	(v2sf) =	vpush v6, $0x8;
	s8 =	sadd.s32 s19, s8;
	s24 =	spop (v2sf);
	s0 =	sor.u32 s5, s0  }
0x44: {  	(v2sf) =	vpush v5, $0x9;
	s10 =	sand.u32 $0x380, s24;
	s25 =	spop (v2sf);
	s9 =	sand.u32 $0xFFFFFC00, s24  }
0x45: {  	(v2sf) =	vpush v6, $0x9;
	s7 =	sor.u32 s7, s8;
	s12 =	sand.u32 $0xFFFFFC00, s25;
	s13 =	spop (v2sf)  }
0x46: {  	(v2sf) =	vpush v5, $0xA;
	s11 =	sand.u32 $0x380, s25;
	s3 =	sadd.s32 s3, s9;
	s26 =	spop (v2sf)  }
0x47: {  	s7 =	sshrl.u32 s7, $0x3;
	s12 =	sadd.s32 s13, s12;
	s18 =	spop (v2sf)  }
0x48: {  	(v2sf) =	vpush v5, $0xD;
	s3 =	sor.u32 s10, s3;
	s11 =	sor.u32 s11, s12;
	s19 =	spop (v2sf)  }
0x49: {  	(v2sf) =	vpush v6, $0xD;
	s9 =	sshrl.u32 s11, $0x3;
	s25 =	sand.u32 $0xFFFFFC00, s18;
	s14 =	spop (v2sf)  }
0x4a: {  	(v2sf) =	vpush v5, $0xB;
	s12 =	sand.u32 $0x380, s18;
	s10 =	sadd.s32 s26, s25;
	s13 =	spop (v2sf)  }
0x4b: {  	s10 =	sor.u32 s12, s10;
	s26 =	sand.u32 $0xFFFFFC00, s14;
	s14 =	sand.u32 $0x380, s14  }
0x4c: {  	s18 =	spop (v2sf);
	s24 =	sand.u32 $0xFFFFFC00, s13;
	s11 =	sadd.s32 s19, s26  }
0x4d: {  	s26 =	sshrl.u32 s3, $0x3;
	s10 =	sshrl.u32 s10, $0x3;
	s5 =	sand.u32 $0x380, s13  }
0x4e: {  	s12 =	spop (v2sf);
	s18 =	sadd.s32 s18, s24;
	s14 =	sor.u32 s14, s11  }
0x4f: {  	s29 =	sadd.s32 s4, s10;
	s11 =	sor.u32 s1, s2;
	s19 =	spop (v2sf)  }
0x50: {  	s2 =	sadd.s32 s4, s9;
	s1 =	sshrl.u32 s0, $0x3;
	s30 =	spop (v2sf)  }
0x51: {  	s25 =	sand.u32 $0xFFFFFC00, s12;
	s24 =	sand.u32 $0x380, s12;
	s6 =	spop (v2sf)  }
0x52: {  	s13 =	sor.u32 s5, s18;
	s3 =	sadd.s32 s19, s25;
	s19 =	spop (v2sf)  }
0x53: {  	s0 =	sshrl.u32 s11, $0x3;
	s11 =	sadd.s32 s4, s7;
	s5 =	spop (v2sf)  }
0x54: {  	s25 =	simm.s32 $0x1A00;
	s18 =	sshrl.u32 s13, $0x3;
	s12 =	spop (v2sf)  }
0x55: {  	s28 =	sand.u32 $0xFFFFFC00, s30;
	s24 =	sor.u32 s24, s3;
	s9 =	spop (v2sf)  }
0x56: {  	(v2sf) =	vpush v5, $0xC;
	s3 =	sadd.s32 s4, s18;
	s18 =	simm.s32 $0x1900;
	s10 =	sand.u32 $0xFFFFFC00, s9  }
0x57: {  	(v2sf) =	vpush v5, $0xE;
	s8 =	sadd.s32 s19, s28;
	s31 =	sadd.s32 s6, s10;
	s6 =	spop (v2sf)  }
0x58: {  	(v2sf) =	vpush v6, $0xC;
	s19 =	sshrl.u32 s14, $0x3;
	s28 =	simm.s32 $0x1B00;
	s7 =	spop (v2sf)  }
0x59: {  	(v2sf) =	vpush v6, $0xB;
	s14 =	sand.u32 $0xFFFFFC00, s5;
	s10 =	sadd.s32 s4, s19;
	s13 =	spop (v2sf)  }
.LBB2_3:
0x5a: {  	s19 =	sand.u32 $0x380, s5;
	s5 =	sand.u32 $0x380, s9  }
0x5b: {  	[tilespmem:s18], [sflag:$0x1] =	stream.linear.gather [hbm4b:s3+s20], $0x80, $0x38;
	[tilespmem:$0xD900] =	vst v63  }
0x5c: {  	s9 =	sand.u32 $0xFFFFFC00, s13;
	s18 =	sand.u32 $0x380, s30;
	s12 =	sadd.s32 s12, s14  }
0x5d: {  	s26 =	sadd.s32 s4, s26;
	s1 =	sadd.s32 s4, s1;
	s3 =	sor.u32 s18, s8  }
0x5e: {  	s8 =	sand.u32 $0xFFFFFC00, s6;
	s6 =	sand.u32 $0x380, s6;
	s18 =	sadd.s32 $0x1A80, s15  }
0x5f: {  	[tilespmem:s23], [sflag:$0x1] =	stream.linear.gather [hbm4b:s29+s20], $0x80, $0x38;
	[tilespmem:$0xD900] =	vst v63  }
0x60: {  	s12 =	sor.u32 s19, s12;
	s19 =	sadd.s32 s4, s0;
	s5 =	sor.u32 s5, s31  }
0x61: {  	[tilespmem:s25], [sflag:$0x1] =	stream.linear.gather [hbm4b:s10+s20], $0x80, $0x38;
	[tilespmem:$0xD900] =	vst v63  }
0x62: {  	s3 =	sshrl.u32 s3, $0x3;
	s8 =	sadd.s32 s7, s8;
	s23 =	sand.u32 $0x380, s13  }
0x63: {  	[tilespmem:s18], [sflag:$0x1] =	stream.linear.gather [hbm4b:s2+s20], $0x80, $0x38;
	[tilespmem:$0xD900] =	vst v63  }
0x64: {  	s5 =	sshrl.u32 s5, $0x3;
	s7 =	sadd.s32 s4, s3;
	s6 =	sor.u32 s6, s8  }
0x65: {  	[tilespmem:s28], [sflag:$0x1] =	stream.linear.gather [hbm4b:s11+s20], $0x80, $0x38;
	[tilespmem:$0xD900] =	vst v63  }
0x66: {  	s0 =	sshrl.u32 s6, $0x3;
	s18 =	sshrl.u32 s12, $0x3;
	s12 =	rddreg [dreg:$0x6]  }
0x67: {  	[tilespmem:s12], [sflag:$0x1] =	stream.linear.gather [hbm4b:s26+s20], $0x80, $0x38;
	[tilespmem:$0xD900] =	vst v63  }
0x68: {  	s5 =	sadd.s32 s4, s5;
	s0 =	sadd.s32 s4, s0;
	s14 =	spop (v2sf)  }
0x69: {  	s2 =	sadd.s32 s4, s18;
	s18 =	rddreg [dreg:$0x7];
	s8 =	spop (v2sf)  }
0x6a: {  	[tilespmem:s18], [sflag:$0x1] =	stream.linear.gather [hbm4b:s19+s20], $0x80, $0x38;
	[tilespmem:$0xD900] =	vst v63  }
0x6b: {  	s12 =	sadd.s32 $0x1E00, s15;
	s13 =	sand.u32 $0xFFFFFC00, s14;
	s6 =	spop (v2sf)  }
0x6c: {  	s19 =	sadd.s32 $0x1F80, s15;
	s10 =	sand.u32 $0xFFFFFC00, s8;
	s25 =	spop (v2sf)  }
0x6d: {  	s3 =	sand.u32 $0x380, s8;
	s9 =	sadd.s32 s25, s9;
	s25 =	rddreg [dreg:$0x5]  }
0x6e: {  	[tilespmem:s25], [sflag:$0x1] =	stream.linear.gather [hbm4b:s1+s20], $0x80, $0x38;
	[tilespmem:$0xD900] =	vst v63  }
0x6f: {  	s6 =	sadd.s32 s6, s13;
	s13 =	sadd.s32 $0x1E80, s15;
	s8 =	sor.u32 s23, s9  }
0x70: {  	[tilespmem:s22], [sflag:$0x1] =	stream.linear.gather [hbm4b:s7+s20], $0x80, $0x38;
	[tilespmem:$0xD900] =	vst v63  }
0x71: {  	s23 =	sand.u32 $0x380, s14;
	s9 =	sadd.s32 s21, s10;
	s10 =	sadd.s32 $0x1D80, s15  }
0x72: {  	[tilespmem:s10], [sflag:$0x1] =	stream.linear.gather [hbm4b:s2+s20], $0x80, $0x38;
	[tilespmem:$0xD900] =	vst v63  }
0x73: {  	s14 =	sadd.s32 $0x1F00, s15;
	s8 =	sshrl.u32 s8, $0x3;
	s6 =	sor.u32 s23, s6  }
0x74: {  	[tilespmem:s12], [sflag:$0x1] =	stream.linear.gather [hbm4b:s5+s20], $0x80, $0x38;
	[tilespmem:$0xD900] =	vst v63  }
0x75: {  	s21 =	rddreg [dreg:$0x4];
	s26 =	sadd.s32 s4, s8;
	s6 =	sshrl.u32 s6, $0x3  }
0x76: {  	[tilespmem:s13], [sflag:$0x1] =	stream.linear.gather [hbm4b:s26+s20], $0x80, $0x38;
	[tilespmem:$0xD900] =	vst v63  }
0x77: {  	s25 =	sand.u32 $0x70, s17;
	s3 =	sor.u32 s3, s9;
	s18 =	sadd.s32 s4, s6  }
0x78: {  	[tilespmem:s14], [sflag:$0x1] =	stream.linear.gather [hbm4b:s18+s20], $0x80, $0x38;
	[tilespmem:$0xD900] =	vst v63  }
0x79: {  	s23 =	sand.u32 $0x80, s17;
	s3 =	sshrl.u32 s3, $0x3;
	s22 =	sshrl.u32 s24, $0x3  }
0x7a: {  	[tilespmem:s19], [sflag:$0x1] =	stream.linear.gather [hbm4b:s0+s20], $0x80, $0x38;
	[tilespmem:$0xD900] =	vst v63  }
0x7b: {  	s24 =	sadd.s32 $0x2000, s15;
	s3 =	sadd.s32 s4, s3;
	s0 =	sadd.s32 s23, s21  }
0x7c: {  	[tilespmem:s24], [sflag:$0x1] =	stream.linear.gather [hbm4b:s3+s20], $0x80, $0x38;
	[tilespmem:$0xD900] =	vst v63  }
0x7d: {  	s5 =	sadd.s32 s4, s22;
	s26 =	sadd.s32 $0x2080, s15;
	s0 =	sadd.s32 s25, s0  }
0x7e: {  	[tilespmem:s26], [sflag:$0x1] =	stream.linear.gather [hbm4b:s5+s20], $0x80, $0x38;
	[tilespmem:$0xD900] =	vst v63  }
0x7f: {  	v5 =	vld [tilespmem:s0+$0x0];
	_ =	sdelay $0x4  }
0x80: {  	vm0 =	vgt.s32 v5, $0x7A11F  }
0x81: {  	v6 =	vsel vm0, $0x1, v0;
	v7 =	vsel vm0, $0xFFF85EE0, v0  }
0x82: {  	v7 =	vadd.s32 v5, v7;
	v5 =	vmul.u32 $0x3D09000, v6;
	_ =	sdelay $0x1  }
0x83: {  	(v2sf) =	vpush v5, $0xE  }
0x84: {  	(v2sf) =	vpush v5, $0x7  }
0x85: {  	v6 =	vshll.u32 v7, $0x7;
	(v2sf) =	vpush v5, $0x5  }
0x86: {  	(v2sf) =	vpush v6, $0x6  }
0x87: {  	(v2sf) =	vpush v5, $0x6  }
0x88: {  	(v2sf) =	vpush v6, $0x7  }
0x89: {  	(v2sf) =	vpush v6, $0x4;
	_ =	sdelay $0x1  }
0x8a: {  	(v2sf) =	vpush v5, $0x4  }
0x8b: {  	(v2sf) =	vpush v6, $0x5  }
0x8c: {  	(v2sf) =	vpush v6, $0x3  }
0x8d: {  	(v2sf) =	vpush v5, $0x3;
	_ =	sdelay $0x1  }
0x8e: {  	p0 =	sne.s32 s16, $0x1E000;
	s11 =	smov.u32 s16;
	(v2sf) =	vpush v5, $0x1  }
0x8f: {  	s16 =	sadd.s32 $0x2000, s16;
	s17 =	sadd.s32 $0x10, s17;
	s15 =	sshra.s32 s11, $0x2;
	(v2sf) =	vpush v6, $0x1  }
0x90: {  	s8 =	sadd.s32 $0x1D00, s15;
	s9 =	sadd.s32 $0x1C80, s15;
	(v2sf) =	vpush v5, $0x2;
	s3 =	spop (v2sf)  }
0x91: {  	s22 =	sadd.s32 $0x1C00, s15;
	[dreg:$0x9] =	wrdreg s8;
	(v2sf) =	vpush v6, $0x2;
	s1 =	spop (v2sf)  }
0x92: {  	s28 =	sadd.s32 $0x1B00, s15;
	(v2sf) =	vpush v6, $0x0;
	[dreg:$0x8] =	wrdreg s3;
	s3 =	spop (v2sf)  }
0x93: {  	[dreg:$0x5] =	wrdreg s9;
	s18 =	sadd.s32 $0x1B80, s15;
	s6 =	spop (v2sf)  }
0x94: {  	[dreg:$0x7] =	wrdreg s22;
	s5 =	sand.u32 $0xFFFFFC00, s6;
	s7 =	spop (v2sf)  }
0x95: {  	[dreg:$0x6] =	wrdreg s18;
	(v2sf) =	vpush v5, $0x0;
	s2 =	sadd.s32 s7, s5;
	s5 =	spop (v2sf)  }
0x96: {  	s23 =	sadd.s32 $0x1980, s15;
	s6 =	sand.u32 $0x380, s6;
	s10 =	spop (v2sf)  }
0x97: {  	(v2sf) =	vpush v6, $0xF;
	s0 =	sand.u32 $0xFFFFFC00, s5;
	s5 =	sand.u32 $0x380, s5;
	s14 =	sand.u32 $0xFFFFFC00, s10  }
0x98: {  	(v2sf) =	vpush v5, $0xF;
	s19 =	spop (v2sf);
	s11 =	sand.u32 $0x380, s10;
	s0 =	sadd.s32 s1, s0  }
0x99: {  	(v2sf) =	vpush v6, $0x8;
	s7 =	sadd.s32 s19, s14;
	s20 =	spop (v2sf);
	s0 =	sor.u32 s5, s0  }
0x9a: {  	(v2sf) =	vpush v5, $0xA;
	s21 =	sand.u32 $0x380, s20;
	s24 =	spop (v2sf);
	s9 =	sand.u32 $0xFFFFFC00, s20  }
0x9b: {  	(v2sf) =	vpush v5, $0x8;
	s1 =	sshrl.u32 s0, $0x3;
	s25 =	sand.u32 $0xFFFFFC00, s24;
	s26 =	spop (v2sf)  }
0x9c: {  	s14 =	sand.u32 $0x380, s24;
	(v2sf) =	vpush v6, $0x9;
	s3 =	sadd.s32 s3, s9;
	s12 =	sadd.s32 s26, s25  }
0x9d: {  	s19 =	spop (v2sf);
	(v2sf) =	vpush v5, $0x9;
	s3 =	sor.u32 s21, s3;
	s25 =	sadd.s32 $0x1A00, s15  }
0x9e: {  	s18 =	sor.u32 s14, s12;
	s20 =	spop (v2sf);
	(v2sf) =	vpush v6, $0xA;
	s26 =	sshrl.u32 s3, $0x3  }
0x9f: {  	s12 =	sor.u32 s6, s2;
	s8 =	sshrl.u32 s18, $0x3;
	s22 =	spop (v2sf);
	(v2sf) =	vpush v6, $0xD  }
0xa0: {  	s21 =	sand.u32 $0x380, s20;
	s10 =	sand.u32 $0xFFFFFC00, s20;
	s24 =	spop (v2sf);
	(v2sf) =	vpush v5, $0xD  }
0xa1: {  	s0 =	sshrl.u32 s12, $0x3;
	s9 =	sadd.s32 s19, s10;
	s10 =	spop (v2sf);
	(v2sf) =	vpush v6, $0xB  }
0xa2: {  	s2 =	sadd.s32 s4, s8;
	s9 =	sor.u32 s21, s9;
	s14 =	sand.u32 $0xFFFFFC00, s24  }
0xa3: {  	s13 =	sand.u32 $0x380, s24;
	s18 =	sand.u32 $0xFFFFFC00, s10;
	s9 =	sshrl.u32 s9, $0x3  }
0xa4: {  	s3 =	sadd.s32 s22, s14;
	s19 =	spop (v2sf);
	s29 =	sadd.s32 s4, s9  }
0xa5: {  	s13 =	sor.u32 s13, s3;
	s9 =	sor.u32 s11, s7;
	s14 =	sadd.s32 s19, s18  }
0xa6: {  	s18 =	sand.u32 $0x380, s10;
	s6 =	sshrl.u32 s9, $0x3;
	s20 =	spop (v2sf)  }
0xa7: {  	s10 =	sshrl.u32 s13, $0x3;
	s11 =	sadd.s32 s4, s6;
	s22 =	spop (v2sf)  }
0xa8: {  	s10 =	sadd.s32 s4, s10;
	s21 =	sand.u32 $0xFFFFFC00, s20;
	s30 =	spop (v2sf)  }
0xa9: {  	s24 =	sand.u32 $0x380, s20;
	s19 =	sadd.s32 s22, s21;
	s31 =	spop (v2sf)  }
0xaa: {  	s22 =	sor.u32 s18, s14;
	s18 =	sadd.s32 $0x1900, s15;
	s20 =	spop (v2sf)  }
0xab: {  	s21 =	sand.u32 $0xFFFFFC00, s30;
	s8 =	sshrl.u32 s22, $0x3;
	s5 =	spop (v2sf)  }
.Ltmp0:
0xac: {  	s24 =	sor.u32 s24, s19;
	s12 =	spop (v2sf);
	(pc) =	sbr.rel @p0 .LBB2_3-.Ltmp0, $4  }
0xad: {  	(v2sf) =	vpush v6, $0xC;
	s3 =	sadd.s32 s4, s8;
	s8 =	sadd.s32 s20, s21;
	s9 =	spop (v2sf)  }
0xae: {  	(v2sf) =	vpush v6, $0xE;
	s21 =	rddreg [dreg:$0x8];
	s20 =	simm.s32 $0x0;
	s6 =	spop (v2sf)  }
0xaf: {  	(v2sf) =	vpush v5, $0xC;
	s14 =	sand.u32 $0xFFFFFC00, s5;
	s22 =	sand.u32 $0xFFFFFC00, s9;
	s7 =	spop (v2sf)  }
0xb0: {  	(v2sf) =	vpush v5, $0xB;
	s31 =	sadd.s32 s31, s22;
	s22 =	rddreg [dreg:$0x9];
	s13 =	spop (v2sf)  }
0xb1: {  	[tilespmem:s18], [sflag:$0x1] =	stream.linear.gather [hbm4b:s3+s20], $0x80, $0x38;
	[tilespmem:$0xD900] =	vst v63  }
0xb2: {  	_ = 	snop  }
0xb3: {  	[tilespmem:s23], [sflag:$0x1] =	stream.linear.gather [hbm4b:s29+s20], $0x80, $0x38;
	[tilespmem:$0xD900] =	vst v63  }
0xb4: {  	_ = 	snop  }
0xb5: {  	[tilespmem:s25], [sflag:$0x1] =	stream.linear.gather [hbm4b:s10+s20], $0x80, $0x38;
	[tilespmem:$0xD900] =	vst v63  }
0xb6: {  	s10 =	sadd.s32 $0x1A80, s15  }
0xb7: {  	[tilespmem:s10], [sflag:$0x1] =	stream.linear.gather [hbm4b:s2+s20], $0x80, $0x38;
	[tilespmem:$0xD900] =	vst v63  }
0xb8: {  	_ = 	snop  }
0xb9: {  	[tilespmem:s28], [sflag:$0x1] =	stream.linear.gather [hbm4b:s11+s20], $0x80, $0x38;
	[tilespmem:$0xD900] =	vst v63  }
0xba: {  	s16 =	rddreg [dreg:$0x6];
	s11 =	sadd.s32 s4, s26  }
0xbb: {  	[tilespmem:s16], [sflag:$0x1] =	stream.linear.gather [hbm4b:s11+s20], $0x80, $0x38;
	[tilespmem:$0xD900] =	vst v63  }
0xbc: {  	s0 =	sadd.s32 s4, s0;
	s17 =	rddreg [dreg:$0x7];
	s23 =	sand.u32 $0x380, s30  }
0xbd: {  	[tilespmem:s17], [sflag:$0x1] =	stream.linear.gather [hbm4b:s0+s20], $0x80, $0x38;
	[tilespmem:$0xD900] =	vst v63  }
0xbe: {  	s18 =	sadd.s32 s4, s1;
	s19 =	rddreg [dreg:$0x5];
	s0 =	sor.u32 s23, s8  }
0xbf: {  	s25 =	sand.u32 $0x380, s5;
	s10 =	sand.u32 $0xFFFFFC00, s13;
	s0 =	sshrl.u32 s0, $0x3  }
0xc0: {  	[tilespmem:s19], [sflag:$0x1] =	stream.linear.gather [hbm4b:s18+s20], $0x80, $0x38;
	[tilespmem:$0xD900] =	vst v63  }
0xc1: {  	s26 =	sadd.s32 s12, s14;
	s28 =	sand.u32 $0x380, s9;
	s0 =	sadd.s32 s4, s0  }
0xc2: {  	[tilespmem:s22], [sflag:$0x1] =	stream.linear.gather [hbm4b:s0+s20], $0x80, $0x38;
	[tilespmem:$0xD900] =	vst v63  }
0xc3: {  	s2 =	sor.u32 s28, s31;
	s29 =	spop (v2sf);
	s0 =	sor.u32 s25, s26  }
0xc4: {  	s31 =	sadd.s32 $0x1D80, s15;
	s30 =	spop (v2sf);
	s0 =	sshrl.u32 s0, $0x3  }
0xc5: {  	s2 =	sshrl.u32 s2, $0x3;
	s8 =	spop (v2sf);
	s0 =	sadd.s32 s4, s0  }
0xc6: {  	[tilespmem:s31], [sflag:$0x1] =	stream.linear.gather [hbm4b:s0+s20], $0x80, $0x38;
	[tilespmem:$0xD900] =	vst v63  }
0xc7: {  	s9 =	sadd.s32 $0x1E00, s15;
	s2 =	sadd.s32 s4, s2;
	s11 =	spop (v2sf)  }
0xc8: {  	[tilespmem:s9], [sflag:$0x1] =	stream.linear.gather [hbm4b:s2+s20], $0x80, $0x38;
	[tilespmem:$0xD900] =	vst v63  }
0xc9: {  	s12 =	sand.u32 $0x380, s13;
	s14 =	sand.u32 $0xFFFFFC00, s29;
	s2 =	sadd.s32 s11, s10  }
0xca: {  	s16 =	sand.u32 $0x380, s29;
	s0 =	sadd.s32 s8, s14;
	s2 =	sor.u32 s12, s2  }
0xcb: {  	s0 =	sor.u32 s16, s0;
	s2 =	sshrl.u32 s2, $0x3  }
0xcc: {  	s13 =	sadd.s32 $0x1E80, s15;
	s0 =	sshrl.u32 s0, $0x3;
	s2 =	sadd.s32 s4, s2  }
0xcd: {  	[tilespmem:s13], [sflag:$0x1] =	stream.linear.gather [hbm4b:s2+s20], $0x80, $0x38;
	[tilespmem:$0xD900] =	vst v63  }
0xce: {  	s17 =	sadd.s32 $0x1F00, s15;
	s18 =	sand.u32 $0xFFFFFC00, s6;
	s0 =	sadd.s32 s4, s0  }
0xcf: {  	[tilespmem:s17], [sflag:$0x1] =	stream.linear.gather [hbm4b:s0+s20], $0x80, $0x38;
	[tilespmem:$0xD900] =	vst v63  }
0xd0: {  	s19 =	sand.u32 $0x380, s6;
	s0 =	sadd.s32 s7, s18  }
0xd1: {  	s0 =	sor.u32 s19, s0  }
0xd2: {  	s0 =	sshrl.u32 s0, $0x3  }
0xd3: {  	s23 =	sand.u32 $0xFFFFFC00, s30;
	s22 =	sadd.s32 $0x1F80, s15;
	s0 =	sadd.s32 s4, s0  }
0xd4: {  	[tilespmem:s22], [sflag:$0x1] =	stream.linear.gather [hbm4b:s0+s20], $0x80, $0x38;
	[tilespmem:$0xD900] =	vst v63  }
0xd5: {  	s1 =	sand.u32 $0x380, s30;
	s0 =	sadd.s32 s21, s23  }
0xd6: {  	s0 =	sor.u32 s1, s0  }
0xd7: {  	s0 =	sshrl.u32 s0, $0x3  }
0xd8: {  	s25 =	sadd.s32 $0x2000, s15;
	s26 =	sshrl.u32 s24, $0x3;
	s0 =	sadd.s32 s4, s0  }
0xd9: {  	[tilespmem:s25], [sflag:$0x1] =	stream.linear.gather [hbm4b:s0+s20], $0x80, $0x38;
	[tilespmem:$0xD900] =	vst v63  }
0xda: {  	s28 =	sadd.s32 $0x2080, s15;
	s29 =	simm.s32 $0x1;
	s0 =	sadd.s32 s4, s26  }
0xdb: {  	[tilespmem:s28], [sflag:$0x1] =	stream.linear.gather [hbm4b:s0+s20], $0x80, $0x38;
	[tilespmem:$0xD900] =	vst v63  }
0xdc: {  	s30 =	simm.s32 $0x0;
	_ =	swait.ge [sflag:s29], $0x8000  }
0xdd: {  	v5 =	vmov s30;
	[sflag:s29] =	ssyncset.done $0x0  }
0xde: {  	v6 =	vshll.u32 v5, $0x3;
	s1 =	simm.s32 $0x1920;
	[sflag:s29] =	ssyncadd.s32 $0xFFFF8000  }
0xdf: {  	v5 =	vand.u32 $0x7F, v5;
	v6 =	vand.u32 $0x400, v6;
	v7 =	vld [tilespmem:s1+$0xFFFFFFE0]  }
0xe0: {  	v6 =	vor.u32 v5, v6  }
0xe1: {  	v5 =	vor.u32 v1, v6;
	_ =	sdelay $0x2  }
0xe2: {  	v7 =	vmul.f32 $8.000000000e+00, v7  }
0xe3: {  	s3 =	simm.s32 $0x9900  }
0xe4: {  	[tilespmem:v5+s3+$0x0] =	vst.idx.msk $0xffff, v7  }
0xe5: {  	v5 =	vld [tilespmem:s1+$0xFFFFFFF0];
	_ =	sdelay $0x1  }
0xe6: {  	v7 =	vor.u32 v2, v6;
	_ =	sdelay $0x2  }
0xe7: {  	v5 =	vmul.f32 $8.000000000e+00, v5;
	_ =	sdelay $0x1  }
0xe8: {  	[tilespmem:v7+s3+$0x0] =	vst.idx.msk $0xffff, v5  }
0xe9: {  	v5 =	vld [tilespmem:s1+$0x0];
	_ =	sdelay $0x1  }
0xea: {  	v7 =	vor.u32 v3, v6;
	_ =	sdelay $0x2  }
0xeb: {  	v5 =	vmul.f32 $8.000000000e+00, v5;
	_ =	sdelay $0x1  }
0xec: {  	[tilespmem:v7+s3+$0x0] =	vst.idx.msk $0xffff, v5  }
0xed: {  	v7 =	vld [tilespmem:s1+$0x10];
	_ =	sdelay $0x1  }
0xee: {  	v6 =	vor.u32 v4, v6;
	_ =	sdelay $0x1  }
0xef: {  	s31 =	simm.s32 $0x1  }
0xf0: {  	s0 =	simm.s32 $0x2;
	v5 =	vmov s31;
	v7 =	vmul.f32 $8.000000000e+00, v7  }
.LBB2_5:
0xf1: {  	p0 =	sne.s32 s0, $0xFF  }
0xf2: {  	v8 =	vshll.u32 v5, $0x3;
	[tilespmem:v6+s3+$0x0] =	vst.idx.msk $0xffff, v7;
	s1 =	sadd.s32 $0x80, s1;
	s2 =	smov.u32 s0;
	s0 =	sadd.s32 $0x1, s0  }
0xf3: {  	v5 =	vand.u32 $0x7F, v5;
	v6 =	vld [tilespmem:s1+$0xFFFFFFE0];
	v7 =	vand.u32 $0x400, v8  }
0xf4: {  	v5 =	vor.u32 v5, v7  }
0xf5: {  	v7 =	vor.u32 v1, v5;
	_ =	sdelay $0x2  }
0xf6: {  	v6 =	vmul.f32 $8.000000000e+00, v6;
	_ =	sdelay $0x1  }
0xf7: {  	[tilespmem:v7+s3+$0x0] =	vst.idx.msk $0xffff, v6  }
0xf8: {  	v6 =	vld [tilespmem:s1+$0xFFFFFFF0];
	_ =	sdelay $0x1  }
0xf9: {  	v7 =	vor.u32 v2, v5;
	_ =	sdelay $0x2  }
0xfa: {  	v6 =	vmul.f32 $8.000000000e+00, v6;
	_ =	sdelay $0x1  }
0xfb: {  	[tilespmem:v7+s3+$0x0] =	vst.idx.msk $0xffff, v6  }
0xfc: {  	v6 =	vld [tilespmem:s1+$0x0];
	_ =	sdelay $0x1  }
0xfd: {  	v7 =	vor.u32 v3, v5;
	_ =	sdelay $0x2  }
0xfe: {  	v6 =	vmul.f32 $8.000000000e+00, v6;
	_ =	sdelay $0x1  }
0xff: {  	[tilespmem:v7+s3+$0x0] =	vst.idx.msk $0xffff, v6  }
0x100: {  	v7 =	vld [tilespmem:s1+$0x10];
	_ =	sdelay $0x1  }
.Ltmp1:
0x101: {  	v6 =	vor.u32 v4, v5;
	(pc) =	sbr.rel @p0 .LBB2_5-.Ltmp1, $3  }
0x102: {  	_ =	sdelay $0x1  }
0x103: {  	v7 =	vmul.f32 $8.000000000e+00, v7  }
0x104: {  	v5 =	vmov s2  }
0x105: {  	_ =	sdelay $0x3  }
0x106: {  	v8 =	vshll.u32 v5, $0x3;
	[tilespmem:v6+s3+$0x0] =	vst.idx.msk $0xffff, v7;
	s0 =	sadd.s32 $0x80, s1  }
0x107: {  	v5 =	vand.u32 $0x7F, v5;
	v6 =	vld [tilespmem:s0+$0xFFFFFFE0];
	v7 =	vand.u32 $0x400, v8  }
0x108: {  	v5 =	vor.u32 v5, v7  }
0x109: {  	v7 =	vor.u32 v1, v5;
	_ =	sdelay $0x2  }
0x10a: {  	v6 =	vmul.f32 $8.000000000e+00, v6;
	_ =	sdelay $0x1  }
0x10b: {  	[tilespmem:v7+s3+$0x0] =	vst.idx.msk $0xffff, v6  }
0x10c: {  	v6 =	vld [tilespmem:s0+$0xFFFFFFF0];
	_ =	sdelay $0x1  }
0x10d: {  	v7 =	vor.u32 v2, v5;
	_ =	sdelay $0x2  }
0x10e: {  	v6 =	vmul.f32 $8.000000000e+00, v6;
	_ =	sdelay $0x1  }
0x10f: {  	[tilespmem:v7+s3+$0x0] =	vst.idx.msk $0xffff, v6  }
0x110: {  	v6 =	vld [tilespmem:s0+$0x0];
	_ =	sdelay $0x1  }
0x111: {  	v7 =	vor.u32 v3, v5;
	_ =	sdelay $0x2  }
0x112: {  	v6 =	vmul.f32 $8.000000000e+00, v6;
	_ =	sdelay $0x1  }
0x113: {  	[tilespmem:v7+s3+$0x0] =	vst.idx.msk $0xffff, v6  }
0x114: {  	v6 =	vld [tilespmem:s0+$0x10]  }
0x115: {  	s5 =	rddreg [dreg:$0xe]  }
0x116: {  	s28 =	rddreg [dreg:$0xa];
	s26 =	sshll.u32 s5, $0x1;
	v5 =	vor.u32 v4, v5  }
0x117: {  	s2 =	rddreg [dreg:$0x2];
	s0 =	sadd.s32 s28, s26  }
0x118: {  	s29 =	simm.s32 $0x800;
	s30 =	simm.s32 $0x8000;
	s1 =	sshll.u32 s0, $0x7  }
0x119: {  	s5 =	sadd.s32 $0x1, s5;
	s0 =	sshll.u32 s0, $0xA;
	s1 =	sand.u32 $0xF00, s1;
	v6 =	vmul.f32 $8.000000000e+00, v6  }
0x11a: {  	p0 =	sne.s32 s5, $0x19;
	s0 =	sand.u32 $0xFFF8000, s0;
	s1 =	sadd.s32 s2, s1  }
.Ltmp2:
0x11b: {  	s31 =	simm.s32 $0x2;
	s0 =	sadd.s32 s0, s1;
	[tilespmem:v5+s3+$0x0] =	vst.idx.msk $0xffff, v6;
	(pc) =	sbr.rel @p0 .LBB2_2-.Ltmp2, $4  }
0x11c: {  	[hbm4b:s0+s29] =	stream.strided.scatter [tilespmem:s3], [sflag:$0x2], $0x4000, s30, s29, $0x38;
	[tilespmem:$0xD900] =	vst v63  }
0x11d: {  	_ =	swait.ge [sflag:s31], $0x4000  }
0x11e: {  	[sflag:s31] =	ssyncset.done $0x0  }
0x11f: {  	[sflag:s31] =	ssyncadd.s32 $0xFFFFC000  }
0x120: {  	s1 =	rddreg [dreg:$0xd]  }
0x121: {  	s0 =	rddreg [dreg:$0xc];
	s1 =	sadd.s32 $0x1, s1  }
0x122: {  	p0 =	sne.s32 s1, s0  }
.Ltmp3:
0x123: {  	_ = 	snop;
	(pc) =	sbr.rel @p0 .LBB2_1-.Ltmp3, $1  }
0x124: {  	_ =	sdelay $0x3  }
0x125: {  	_ =	sfence.sel $0x180000  }
0x126: {  	[bflag:$0x0] =	sbarrier.arrive $0xFFFF  }
0x127: {  	_ =	strace $0x90000047  }
0x128: {  	s0 =	stileid.u32;
	[bflag:$0x2] =	sbarrier.arrive $0xFFFF  }
0x129: {  	p0 =	sne.s32 s0, $0x0;
	s0 =	rddreg [dreg:$0x3]  }
0x12a: {  	s0 =	sadd.s32 @!p0 $0x100000, s0  }
0x12b: {  	[sflag:s0] =	ssyncadd.tile.s32 @!p0 $0x1;
	_ =	shalt  }
.Lfunc_end2:
_tile_overlayer_lowered:
.L_overlay_start_2:
0x12c: {  	(tag) =	ssettag $0x2  }
0x12d: {  	s0 =	rddreg [dreg:$0x0];
	s2 =	stileid.u32  }
0x12e: {  	s1 =	rddreg [dreg:$0x1];
	p0 =	sne.s32 s2, $0x0  }
0x12f: {  	s3 =	rddreg [dreg:$0x2];
	[bflag:$0x3] =	sbarrier.arrive $0xFFFF;
	s2 =	simm.s32 @!p0 $0x1C02  }
0x130: {  	[timem:s3], [sflag:s2] =	dma.local @!p0 [hbm:s0], s1  }
0x131: {  	s0 =	simm.s32 @!p0 $0x2  }
0x132: {  	_ =	swait.ge @!p0 [sflag:s0], s1  }
0x133: {  	s1 =	ssub.s32 @!p0 $0x0, s1;
	[sflag:s0] =	ssyncset.done @!p0 $0x0  }
0x134: {  	[sflag:s0] =	ssyncadd.s32 @!p0 s1  }
0x135: {  	[bflag:$0x3] =	sbarrier.arrive $0xFFFF  }
0x136: {  	_ =	shalt  }

</sc_bundles>
